<compile_context>
chip_gen: v7x
topology: tpu7x:2x2x1
jax: 0.10.2.dev20260603
libtpu: 0.0.44.dev20260713+nightly
codegen_flags: <defaults>
</compile_context>

<pallas_src>
import dataclasses

import jax
import jax.numpy as jnp
from jax import lax
from jax.experimental import pallas as pl
from jax.experimental.pallas import tpu as pltpu
from jax.experimental.pallas import tpu_sc as plsc

N = 320000
S = 10000
D_IN = 128
D_H = 32
D_OUT = 128

NW = 32
SPW = 320
S_PAD = NW * SPW
CHUNK = 640
PW = 48
L = 16

BLK_A = 16000
BLK_B = 2048


def _tc_a_body(x_ref, w1_ref, b1_ref, wa_ref, ba_ref, p_ref):
    x = x_ref[...]
    zt = lax.dot_general(
        w1_ref[...], x, (((0,), (1,)), ((), ())),
        preferred_element_type=jnp.float32,
    )
    zt = zt + b1_ref[...]
    ht = zt * (1.0 / (1.0 + jnp.exp(-zt)))
    a = jnp.sum(ht * wa_ref[...], axis=0, keepdims=True) + ba_ref[0, 0]
    e = jnp.exp(a)
    p_ref[:D_H, :] = e * ht
    p_ref[D_H:, :] = jnp.broadcast_to(e, (L, BLK_A))


def _tc_a(x, W1, b1, Wa, ba):
    grid = x.shape[0] // BLK_A
    return pl.pallas_call(
        _tc_a_body,
        grid=(grid,),
        in_specs=[
            pl.BlockSpec((BLK_A, D_IN), lambda i: (i, 0)),
            pl.BlockSpec((D_IN, D_H), lambda i: (0, 0)),
            pl.BlockSpec((D_H, 1), lambda i: (0, 0)),
            pl.BlockSpec((D_H, 1), lambda i: (0, 0)),
            pl.BlockSpec((1, 1), lambda i: (0, 0)),
        ],
        out_specs=pl.BlockSpec((PW, BLK_A), lambda i: (0, i)),
        out_shape=jax.ShapeDtypeStruct((PW, x.shape[0]), jnp.float32),
    )(x, W1, b1, Wa, ba)


def _sc_body(p_hbm, idx_hbm, rr_hbm, out_hbm, p_v, idx_v, acc_v, rr_v, sem):
    wid = lax.axis_index("s") * 2 + lax.axis_index("c")
    s0 = wid * SPW

    zeros = jnp.zeros((L,), jnp.float32)

    @pl.loop(0, PW)
    def _zero(k):
        @pl.loop(0, SPW + L, step=L)
        def _zero2(i):
            acc_v[k, pl.ds(i, L)] = zeros

    pltpu.sync_copy(rr_hbm.at[wid], rr_v)
    rr = rr_v[pl.ds(0, L)]
    r0 = rr[0]
    r1 = rr[1]
    c0 = r0 // CHUNK
    c1 = (r1 + CHUNK - 1) // CHUNK

    @pl.loop(c0, c1)
    def _chunk(c):
        base = c * CHUNK
        pltpu.sync_copy(p_hbm.at[:, pl.ds(base, CHUNK)], p_v)
        pltpu.sync_copy(idx_hbm.at[pl.ds(base, CHUNK)], idx_v)

        @pl.loop(0, CHUNK // L)
        def _grp(g):
            seg_vec = idx_v[pl.ds(g * L, L)] - s0
            valid = jnp.logical_and(seg_vec >= 0, seg_vec < SPW)
            seg_vec = jnp.where(valid, seg_vec, SPW)
            seg_vec = lax.iota(jnp.int32, L)
            for k in range(PW):
                v = p_v[k, pl.ds(g * L, L)]
                row_k = jnp.full((L,), k, jnp.int32)
                plsc.addupdate_scatter(acc_v, [row_k, seg_vec], v)

    pltpu.sync_copy(acc_v, out_hbm.at[pl.ds(wid * PW, PW)])


def _sc_segment_sum(p, index_i32, row_ranges):
    mesh = plsc.VectorSubcoreMesh(
        core_axis_name="c", subcore_axis_name="s", num_cores=2, num_subcores=16
    )
    cp = pltpu.CompilerParams()
    if "needs_layout_passes" in pltpu.CompilerParams.__dataclass_fields__:
        cp = dataclasses.replace(cp, needs_layout_passes=False)
    kern = pl.kernel(
        _sc_body,
        out_type=jax.ShapeDtypeStruct((NW * PW, SPW + 129), jnp.float32),
        mesh=mesh,
        scratch_types=[
            pltpu.VMEM((PW, CHUNK), jnp.float32),
            pltpu.VMEM((CHUNK,), jnp.int32),
            pltpu.VMEM((PW, SPW + 129), jnp.float32),
            pltpu.VMEM((L,), jnp.int32),
            pltpu.SemaphoreType.DMA,
        ],
        compiler_params=cp,
    )
    return kern(p, index_i32, row_ranges)


def _tc_b_body(acc_ref, wo_ref, bo_ref, out_ref):
    acc = acc_ref[...]
    num = acc[:D_H, :SPW]
    den = acc[D_H:D_H + 1, :SPW]
    agg = jnp.where(den > 0, num / jnp.where(den > 0, den, 1.0), 0.0)
    out_ref[...] = (
        lax.dot_general(
            agg, wo_ref[...], (((0,), (0,)), ((), ())),
            preferred_element_type=jnp.float32,
        )
        + bo_ref[...]
    )


def _tc_b(acc, Wo, bo):
    return pl.pallas_call(
        _tc_b_body,
        grid=(NW,),
        in_specs=[
            pl.BlockSpec((PW, SPW + 129), lambda i: (i, 0)),
            pl.BlockSpec((D_H, D_OUT), lambda i: (0, 0)),
            pl.BlockSpec((1, D_OUT), lambda i: (0, 0)),
        ],
        out_specs=pl.BlockSpec((SPW, D_OUT), lambda i: (i, 0)),
        out_shape=jax.ShapeDtypeStruct((S_PAD, D_OUT), jnp.float32),
    )(acc, Wo, bo)


def kernel(x, index, W1, b1, Wa, ba, Wo, bo):
    index = index.astype(jnp.int32)
    bounds = jnp.arange(0, NW + 1, dtype=jnp.int32) * SPW
    starts = jnp.searchsorted(index, bounds, side="left").astype(jnp.int32)
    row_ranges = jnp.zeros((NW, L), jnp.int32)
    row_ranges = row_ranges.at[:, 0].set(starts[:-1]).at[:, 1].set(starts[1:])
    p = _tc_a(x, W1, b1.reshape(D_H, 1), Wa.reshape(D_H, 1), ba.reshape(1, 1))
    acc = _sc_segment_sum(p, index, row_ranges)
    return _tc_b(acc, Wo, bo.reshape(1, D_OUT))[:S]

# --- scband reference (transcript-rebuilt; emitter-appended) ---
"""Pipeline reference for scband-downstream-attentive-ffn-28166395527437 (READ-ONLY COPY).

The authoritative reference and input builder live on the scoring server;
editing this copy changes nothing except your own understanding.
"""

import jax, jax.numpy as jnp
import numpy as np

N = 320000
S = 10000
D_IN = 128
D_H = D_IN // 4
D_OUT = 128

def setup_inputs(seed: int = 0) -> dict:
    key = jax.random.key(seed)
    k_x, k_i, k1, k2, k3, k4, k5, k6 = [jax.random.fold_in(key, i) for i in range(8)]
    x = jax.random.normal(k_x, (N, D_IN), dtype=jnp.float32)
    index = jnp.sort(jax.random.randint(k_i, (N,), 0, S)).astype(jnp.int64)
    s1 = 1.0 / np.sqrt(D_IN)
    s2 = 1.0 / np.sqrt(D_H)
    W1 = jax.random.uniform(k1, (D_IN, D_H), dtype=jnp.float32, minval=-s1, maxval=s1)
    b1 = jax.random.uniform(k2, (D_H,), dtype=jnp.float32, minval=-s1, maxval=s1)
    Wa = jax.random.uniform(k3, (D_H, 1), dtype=jnp.float32, minval=-s2, maxval=s2)
    ba = jax.random.uniform(k4, (1,), dtype=jnp.float32, minval=-s2, maxval=s2)
    Wo = jax.random.uniform(k5, (D_H, D_OUT), dtype=jnp.float32, minval=-s2, maxval=s2)
    bo = jax.random.uniform(k6, (D_OUT,), dtype=jnp.float32, minval=-s2, maxval=s2)
    return {"x": x, "index": index, "W1": W1, "b1": b1, "Wa": Wa, "ba": ba, "Wo": Wo, "bo": bo}

def reference(x, index, W1, b1, Wa, ba, Wo, bo):
    h = jax.nn.silu(x @ W1 + b1)
    a = (h @ Wa + ba)[:, 0]
    seg_max = jax.ops.segment_max(a, index, num_segments=S)
    a_exp = jnp.exp(a - seg_max[index])
    seg_sum = jax.ops.segment_sum(a_exp, index, num_segments=S)
    w = a_exp / seg_sum[index]
    hw = w[:, None] * h
    agg = jax.ops.segment_sum(hw, index, num_segments=S)
    out = agg @ Wo + bo
    return out

if __name__ == "__main__":
    import jax
    _d = setup_inputs()
    print(jax.jit(kernel)(*tuple(_d.values())))

</pallas_src>

<mosaic_0001>
#map = affine_map<(d0, d1) -> (0, 0)>
#map1 = affine_map<(d0, d1) -> (0)>
module attributes {stable_mosaic.version = 14 : i64} {
  func.func @_sc_body(%arg0: i32, %arg1: i32, %arg2: memref<48x320000xf32, #tpu.memory_space<hbm>>, %arg3: memref<320000xi32, #tpu.memory_space<hbm>>, %arg4: memref<32x16xi32, #tpu.memory_space<hbm>>, %arg5: memref<1536x449xf32, #tpu.memory_space<hbm>>, %arg6: memref<48x640xf32, #tpu.memory_space<vmem>>, %arg7: memref<640xi32, #tpu.memory_space<vmem>>, %arg8: memref<48x449xf32, #tpu.memory_space<vmem>>, %arg9: memref<16xi32, #tpu.memory_space<vmem>>, %arg10: memref<!tpu.dma_semaphore, #tpu.memory_space<semaphore_mem>>) attributes {dimension_semantics = [#tpu.dimension_semantics<core_parallel>, #tpu.dimension_semantics<subcore_parallel>], iteration_bounds = array<i64: 2, 16>, scalar_prefetch = 0 : i64, scratch_operands = 5 : i64, tpu.core_type = #tpu.core_type<sc_vector_subcore>, window_params = [{transform_indices = #map}, {transform_indices = #map1}, {transform_indices = #map}, {transform_indices = #map}]} {
    %mul3A = arith.constant 2 : i32
    %mul3A_0 = arith.muli %arg1, %mul3A : i32
    %add3A = arith.addi %mul3A_0, %arg0 : i32
    %mul3A_1 = arith.constant 320 : i32
    %mul3A_2 = arith.muli %add3A, %mul3A_1 : i32
    %broadcast_in_dim3A = arith.constant 0.000000e+00 : f32
    %broadcast_in_dim3A_3 = vector.broadcast %broadcast_in_dim3A : f32 to vector<16xf32>
    %scan3A = arith.constant 0 : i32
    %scan3A_4 = arith.constant 48 : i32
    %scan3A_5 = arith.addi %scan3A, %scan3A_4 : i32
    %scan3A_6 = arith.constant 1 : i32
    scf.for %scan3A_73 = %scan3A to %scan3A_5 step %scan3A_6  : i32 {
      %mul3A_74 = arith.constant 1 : i32
      %mul3A_75 = arith.muli %scan3A_73, %mul3A_74 : i32
      %add3A_76 = arith.constant 0 : i32
      %add3A_77 = arith.addi %add3A_76, %mul3A_75 : i32
      %scan3A_78 = arith.constant 0 : i32
      %scan3A_79 = arith.constant 21 : i32
      %scan3A_80 = arith.addi %scan3A_78, %scan3A_79 : i32
      %scan3A_81 = arith.constant 1 : i32
      scf.for %scan3A_83 = %scan3A_78 to %scan3A_80 step %scan3A_81  : i32 {
        %mul3A_84 = arith.constant 16 : i32
        %mul3A_85 = arith.muli %scan3A_83, %mul3A_84 : i32
        %add3A_86 = arith.constant 0 : i32
        %add3A_87 = arith.addi %add3A_86, %mul3A_85 : i32
        %swap3A = arith.index_cast %add3A_77 : i32 to index
        %swap3A_88 = arith.index_cast %add3A_87 : i32 to index
        %swap3A_89 = tpu.vector_load %arg8[%swap3A, %swap3A_88] {strides = array<i32>} : memref<48x449xf32, #tpu.memory_space<vmem>>, vector<16xf32>,
        tpu.vector_store %arg8[%swap3A, %swap3A_88], %broadcast_in_dim3A_3 {strides = array<i32>} : memref<48x449xf32, #tpu.memory_space<vmem>>, vector<16xf32>,
      }
      %scan3A_82 = arith.constant 21 : i32
    }
    %scan3A_7 = arith.constant 48 : i32
    "tpu.region"() ({
      %run_scoped3A = tpu.sem_alloc : memref<!tpu.dma_semaphore, #tpu.memory_space<semaphore_mem>>
      %dma_start3A = arith.constant 0 : i32
      %dma_start3A_73 = tpu.memref_slice %arg4[%add3A, %dma_start3A] : memref<32x16xi32, #tpu.memory_space<hbm>> -> memref<1x16xi32, #tpu.memory_space<hbm>>
      %dma_start3A_74 = tpu.memref_squeeze %dma_start3A_73 : memref<1x16xi32, #tpu.memory_space<hbm>> -> memref<16xi32, #tpu.memory_space<hbm>>
      %dma_start3A_75 = arith.constant 0 : i32
      %dma_start3A_76 = tpu.memref_slice %arg4[%add3A, %dma_start3A_75] : memref<32x16xi32, #tpu.memory_space<hbm>> -> memref<1x16xi32, #tpu.memory_space<hbm>>
      %dma_start3A_77 = tpu.memref_squeeze %dma_start3A_76 : memref<1x16xi32, #tpu.memory_space<hbm>> -> memref<16xi32, #tpu.memory_space<hbm>>
      tpu.enqueue_dma source(%dma_start3A_77 : memref<16xi32, #tpu.memory_space<hbm>>) target(%arg9 : memref<16xi32, #tpu.memory_space<vmem>>) target_semaphore(%run_scoped3A : memref<!tpu.dma_semaphore, #tpu.memory_space<semaphore_mem>>)
      %dma_wait3A = arith.constant 0 : i32
      %dma_wait3A_78 = tpu.memref_slice %arg4[%add3A, %dma_wait3A] : memref<32x16xi32, #tpu.memory_space<hbm>> -> memref<1x16xi32, #tpu.memory_space<hbm>>
      %dma_wait3A_79 = tpu.memref_squeeze %dma_wait3A_78 : memref<1x16xi32, #tpu.memory_space<hbm>> -> memref<16xi32, #tpu.memory_space<hbm>>
      %dma_wait3A_80 = arith.constant 0 : i32
      %dma_wait3A_81 = tpu.memref_slice %arg4[%add3A, %dma_wait3A_80] : memref<32x16xi32, #tpu.memory_space<hbm>> -> memref<1x16xi32, #tpu.memory_space<hbm>>
      %dma_wait3A_82 = tpu.memref_squeeze %dma_wait3A_81 : memref<1x16xi32, #tpu.memory_space<hbm>> -> memref<16xi32, #tpu.memory_space<hbm>>
      tpu.wait_dma2 semaphore(%run_scoped3A : memref<!tpu.dma_semaphore, #tpu.memory_space<semaphore_mem>>) src(%dma_wait3A_82 : memref<16xi32, #tpu.memory_space<hbm>>) dst(%arg9 : memref<16xi32, #tpu.memory_space<vmem>>)
      tpu.yield
    }) : () -> ()
    %get3A = arith.constant 0 : index
    %get3A_8 = tpu.vector_load %arg9[%get3A] {strides = array<i32>} : memref<16xi32, #tpu.memory_space<vmem>>, vector<16xi32>,
    %slice3A = vector.extract_strided_slice %get3A_8 {offsets = [0], sizes = [1], strides = [1]} : vector<16xi32> to vector<1xi32>
    %squeeze3A = vector.extract %slice3A[0] : i32 from vector<1xi32>
    %slice3A_9 = vector.extract_strided_slice %get3A_8 {offsets = [1], sizes = [1], strides = [1]} : vector<16xi32> to vector<1xi32>
    %squeeze3A_10 = vector.extract %slice3A_9[0] : i32 from vector<1xi32>
    %jit3A = arith.constant 640 : i32
    %div3A = arith.divsi %squeeze3A, %jit3A : i32
    %sign3A = arith.constant 0 : i32
    %sign3A_11 = arith.cmpi sgt, %squeeze3A, %sign3A : i32
    %sign3A_12 = arith.extui %sign3A_11 : i1 to i32
    %sign3A_13 = arith.constant 0 : i32
    %sign3A_14 = arith.cmpi slt, %squeeze3A, %sign3A_13 : i32
    %sign3A_15 = arith.extui %sign3A_14 : i1 to i32
    %sign3A_16 = arith.subi %sign3A_12, %sign3A_15 : i32
    %sign3A_17 = arith.constant 0 : i32
    %sign3A_18 = arith.cmpi sgt, %jit3A, %sign3A_17 : i32
    %sign3A_19 = arith.extui %sign3A_18 : i1 to i32
    %sign3A_20 = arith.constant 0 : i32
    %sign3A_21 = arith.cmpi slt, %jit3A, %sign3A_20 : i32
    %sign3A_22 = arith.extui %sign3A_21 : i1 to i32
    %sign3A_23 = arith.subi %sign3A_19, %sign3A_22 : i32
    %ne3A = arith.cmpi ne, %sign3A_16, %sign3A_23 : i32
    %rem3A = arith.remsi %squeeze3A, %jit3A : i32
    %ne3A_24 = arith.constant 0 : i32
    %ne3A_25 = arith.cmpi ne, %rem3A, %ne3A_24 : i32
    %and3A = arith.andi %ne3A, %ne3A_25 : i1
    %sub3A = arith.constant 1 : i32
    %sub3A_26 = arith.subi %div3A, %sub3A : i32
    %select_n3A = arith.select %and3A, %sub3A_26, %div3A : i32
    %add3A_27 = arith.constant 640 : i32
    %add3A_28 = arith.addi %squeeze3A_10, %add3A_27 : i32
    %sub3A_29 = arith.constant 1 : i32
    %sub3A_30 = arith.subi %add3A_28, %sub3A_29 : i32
    %jit3A_31 = arith.constant 640 : i32
    %div3A_32 = arith.divsi %sub3A_30, %jit3A_31 : i32
    %sign3A_33 = arith.constant 0 : i32
    %sign3A_34 = arith.cmpi sgt, %sub3A_30, %sign3A_33 : i32
    %sign3A_35 = arith.extui %sign3A_34 : i1 to i32
    %sign3A_36 = arith.constant 0 : i32
    %sign3A_37 = arith.cmpi slt, %sub3A_30, %sign3A_36 : i32
    %sign3A_38 = arith.extui %sign3A_37 : i1 to i32
    %sign3A_39 = arith.subi %sign3A_35, %sign3A_38 : i32
    %sign3A_40 = arith.constant 0 : i32
    %sign3A_41 = arith.cmpi sgt, %jit3A_31, %sign3A_40 : i32
    %sign3A_42 = arith.extui %sign3A_41 : i1 to i32
    %sign3A_43 = arith.constant 0 : i32
    %sign3A_44 = arith.cmpi slt, %jit3A_31, %sign3A_43 : i32
    %sign3A_45 = arith.extui %sign3A_44 : i1 to i32
    %sign3A_46 = arith.subi %sign3A_42, %sign3A_45 : i32
    %ne3A_47 = arith.cmpi ne, %sign3A_39, %sign3A_46 : i32
    %rem3A_48 = arith.remsi %sub3A_30, %jit3A_31 : i32
    %ne3A_49 = arith.constant 0 : i32
    %ne3A_50 = arith.cmpi ne, %rem3A_48, %ne3A_49 : i32
    %and3A_51 = arith.andi %ne3A_47, %ne3A_50 : i1
    %sub3A_52 = arith.constant 1 : i32
    %sub3A_53 = arith.subi %div3A_32, %sub3A_52 : i32
    %select_n3A_54 = arith.select %and3A_51, %sub3A_53, %div3A_32 : i32
    %sub3A_55 = arith.subi %select_n3A_54, %select_n3A : i32
    %sub3A_56 = arith.constant 1 : i32
    %sub3A_57 = arith.constant 1 : i32
    %sub3A_58 = arith.subi %sub3A_56, %sub3A_57 : i32
    %add3A_59 = arith.addi %sub3A_55, %sub3A_58 : i32
    %div3A_60 = arith.constant 1 : i32
    %div3A_61 = arith.divsi %add3A_59, %div3A_60 : i32
    %while3A = arith.constant 1 : i32
    %while3A_62 = arith.constant 0 : i32
    %while3A_63 = arith.subi %div3A_61, %while3A_62 : i32
    %while3A_64 = arith.addi %while3A_62, %while3A_63 : i32
    %while3A_65 = arith.constant 1 : i32
    %while3A_66 = arith.divsi %while3A_63, %while3A_65 : i32
    %while3A_67 = arith.muli %while3A_66, %while3A_65 : i32
    %while3A_68 = arith.addi %while3A_62, %while3A_67 : i32
    %while3A_69 = arith.constant 1 : i32
    scf.for %while3A_73 = %while3A_62 to %while3A_68 step %while3A_69  : i32 {
      %mul3A_74 = arith.muli %while3A_73, %while3A : i32
      %add3A_75 = arith.addi %select_n3A, %mul3A_74 : i32
      %mul3A_76 = arith.constant 640 : i32
      %mul3A_77 = arith.muli %add3A_75, %mul3A_76 : i32
      "tpu.region"() ({
        %run_scoped3A = tpu.sem_alloc : memref<!tpu.dma_semaphore, #tpu.memory_space<semaphore_mem>>
        %dma_start3A = arith.constant 0 : i32
        %dma_start3A_83 = tpu.memref_slice %arg2[%dma_start3A, %mul3A_77] : memref<48x320000xf32, #tpu.memory_space<hbm>> -> memref<48x640xf32, #tpu.memory_space<hbm>>
        %dma_start3A_84 = arith.constant 0 : i32
        %dma_start3A_85 = tpu.memref_slice %arg2[%dma_start3A_84, %mul3A_77] : memref<48x320000xf32, #tpu.memory_space<hbm>> -> memref<48x640xf32, #tpu.memory_space<hbm>>
        tpu.enqueue_dma source(%dma_start3A_85 : memref<48x640xf32, #tpu.memory_space<hbm>>) target(%arg6 : memref<48x640xf32, #tpu.memory_space<vmem>>) target_semaphore(%run_scoped3A : memref<!tpu.dma_semaphore, #tpu.memory_space<semaphore_mem>>)
        %dma_wait3A = arith.constant 0 : i32
        %dma_wait3A_86 = tpu.memref_slice %arg2[%dma_wait3A, %mul3A_77] : memref<48x320000xf32, #tpu.memory_space<hbm>> -> memref<48x640xf32, #tpu.memory_space<hbm>>
        %dma_wait3A_87 = arith.constant 0 : i32
        %dma_wait3A_88 = tpu.memref_slice %arg2[%dma_wait3A_87, %mul3A_77] : memref<48x320000xf32, #tpu.memory_space<hbm>> -> memref<48x640xf32, #tpu.memory_space<hbm>>
        tpu.wait_dma2 semaphore(%run_scoped3A : memref<!tpu.dma_semaphore, #tpu.memory_space<semaphore_mem>>) src(%dma_wait3A_88 : memref<48x640xf32, #tpu.memory_space<hbm>>) dst(%arg6 : memref<48x640xf32, #tpu.memory_space<vmem>>)
        tpu.yield
      }) : () -> ()
      "tpu.region"() ({
        %run_scoped3A = tpu.sem_alloc : memref<!tpu.dma_semaphore, #tpu.memory_space<semaphore_mem>>
        %dma_start3A = tpu.memref_slice %arg3[%mul3A_77] : memref<320000xi32, #tpu.memory_space<hbm>> -> memref<640xi32, #tpu.memory_space<hbm>>
        %dma_start3A_83 = tpu.memref_slice %arg3[%mul3A_77] : memref<320000xi32, #tpu.memory_space<hbm>> -> memref<640xi32, #tpu.memory_space<hbm>>
        tpu.enqueue_dma source(%dma_start3A_83 : memref<640xi32, #tpu.memory_space<hbm>>) target(%arg7 : memref<640xi32, #tpu.memory_space<vmem>>) target_semaphore(%run_scoped3A : memref<!tpu.dma_semaphore, #tpu.memory_space<semaphore_mem>>)
        %dma_wait3A = tpu.memref_slice %arg3[%mul3A_77] : memref<320000xi32, #tpu.memory_space<hbm>> -> memref<640xi32, #tpu.memory_space<hbm>>
        %dma_wait3A_84 = tpu.memref_slice %arg3[%mul3A_77] : memref<320000xi32, #tpu.memory_space<hbm>> -> memref<640xi32, #tpu.memory_space<hbm>>
        tpu.wait_dma2 semaphore(%run_scoped3A : memref<!tpu.dma_semaphore, #tpu.memory_space<semaphore_mem>>) src(%dma_wait3A_84 : memref<640xi32, #tpu.memory_space<hbm>>) dst(%arg7 : memref<640xi32, #tpu.memory_space<vmem>>)
        tpu.yield
      }) : () -> ()
      %scan3A_78 = arith.constant 0 : i32
      %scan3A_79 = arith.constant 40 : i32
      %scan3A_80 = arith.addi %scan3A_78, %scan3A_79 : i32
      %scan3A_81 = arith.constant 1 : i32
      scf.for %scan3A_83 = %scan3A_78 to %scan3A_80 step %scan3A_81  : i32 {
        %mul3A_84 = arith.constant 1 : i32
        %mul3A_85 = arith.muli %scan3A_83, %mul3A_84 : i32
        %add3A_86 = arith.constant 0 : i32
        %add3A_87 = arith.addi %add3A_86, %mul3A_85 : i32
        %mul3A_88 = arith.constant 16 : i32
        %mul3A_89 = arith.muli %add3A_87, %mul3A_88 : i32
        %get3A_90 = arith.index_cast %mul3A_89 : i32 to index
        %get3A_91 = tpu.vector_load %arg7[%get3A_90] {strides = array<i32>} : memref<640xi32, #tpu.memory_space<vmem>>, vector<16xi32>,
        %sub3A_92 = vector.broadcast %mul3A_2 : i32 to vector<16xi32>
        %sub3A_93 = arith.subi %get3A_91, %sub3A_92 : vector<16xi32>
        %ge3A = arith.constant 0 : i32
        %ge3A_94 = vector.broadcast %ge3A : i32 to vector<16xi32>
        %ge3A_95 = arith.cmpi sge, %sub3A_93, %ge3A_94 : vector<16xi32>
        %lt3A = arith.constant 320 : i32
        %lt3A_96 = vector.broadcast %lt3A : i32 to vector<16xi32>
        %lt3A_97 = arith.cmpi slt, %sub3A_93, %lt3A_96 : vector<16xi32>
        %and3A_98 = arith.andi %ge3A_95, %lt3A_97 : vector<16xi1>
        %jit3A_99 = arith.constant 320 : i32
        %broadcast_in_dim3A_100 = vector.broadcast %jit3A_99 : i32 to vector<16xi32>
        %select_n3A_101 = arith.select %and3A_98, %sub3A_93, %broadcast_in_dim3A_100 : vector<16xi1>, vector<16xi32>
        %iota3A = tpu.iota {dimensions = array<i32: 0>} : vector<16xi32>
        %mul3A_102 = arith.constant 16 : i32
        %mul3A_103 = arith.muli %add3A_87, %mul3A_102 : i32
        %get3A_104 = arith.constant 0 : i32
        %get3A_105 = arith.index_cast %get3A_104 : i32 to index
        %get3A_106 = arith.index_cast %mul3A_103 : i32 to index
        %get3A_107 = tpu.vector_load %arg6[%get3A_105, %get3A_106] {strides = array<i32>} : memref<48x640xf32, #tpu.memory_space<vmem>>, vector<16xf32>,
        %broadcast_in_dim3A_108 = arith.constant 0 : i32
        %broadcast_in_dim3A_109 = vector.broadcast %broadcast_in_dim3A_108 : i32 to vector<16xi32>
        tpu.vector_store_idx %arg8[%broadcast_in_dim3A_109, %iota3A], %get3A_107 {add = true} : memref<48x449xf32, #tpu.memory_space<vmem>>[vector<16xi32>, vector<16xi32>], vector<16xf32>,
        %mul3A_110 = arith.constant 16 : i32
        %mul3A_111 = arith.muli %add3A_87, %mul3A_110 : i32
        %get3A_112 = arith.constant 1 : i32
        %get3A_113 = arith.index_cast %get3A_112 : i32 to index
        %get3A_114 = arith.index_cast %mul3A_111 : i32 to index
        %get3A_115 = tpu.vector_load %arg6[%get3A_113, %get3A_114] {strides = array<i32>} : memref<48x640xf32, #tpu.memory_space<vmem>>, vector<16xf32>,
        %broadcast_in_dim3A_116 = arith.constant 1 : i32
        %broadcast_in_dim3A_117 = vector.broadcast %broadcast_in_dim3A_116 : i32 to vector<16xi32>
        tpu.vector_store_idx %arg8[%broadcast_in_dim3A_117, %iota3A], %get3A_115 {add = true} : memref<48x449xf32, #tpu.memory_space<vmem>>[vector<16xi32>, vector<16xi32>], vector<16xf32>,
        %mul3A_118 = arith.constant 16 : i32
        %mul3A_119 = arith.muli %add3A_87, %mul3A_118 : i32
        %get3A_120 = arith.constant 2 : i32
        %get3A_121 = arith.index_cast %get3A_120 : i32 to index
        %get3A_122 = arith.index_cast %mul3A_119 : i32 to index
        %get3A_123 = tpu.vector_load %arg6[%get3A_121, %get3A_122] {strides = array<i32>} : memref<48x640xf32, #tpu.memory_space<vmem>>, vector<16xf32>,
        %broadcast_in_dim3A_124 = arith.constant 2 : i32
        %broadcast_in_dim3A_125 = vector.broadcast %broadcast_in_dim3A_124 : i32 to vector<16xi32>
        tpu.vector_store_idx %arg8[%broadcast_in_dim3A_125, %iota3A], %get3A_123 {add = true} : memref<48x449xf32, #tpu.memory_space<vmem>>[vector<16xi32>, vector<16xi32>], vector<16xf32>,
        %mul3A_126 = arith.constant 16 : i32
        %mul3A_127 = arith.muli %add3A_87, %mul3A_126 : i32
        %get3A_128 = arith.constant 3 : i32
        %get3A_129 = arith.index_cast %get3A_128 : i32 to index
        %get3A_130 = arith.index_cast %mul3A_127 : i32 to index
        %get3A_131 = tpu.vector_load %arg6[%get3A_129, %get3A_130] {strides = array<i32>} : memref<48x640xf32, #tpu.memory_space<vmem>>, vector<16xf32>,
        %broadcast_in_dim3A_132 = arith.constant 3 : i32
        %broadcast_in_dim3A_133 = vector.broadcast %broadcast_in_dim3A_132 : i32 to vector<16xi32>
        tpu.vector_store_idx %arg8[%broadcast_in_dim3A_133, %iota3A], %get3A_131 {add = true} : memref<48x449xf32, #tpu.memory_space<vmem>>[vector<16xi32>, vector<16xi32>], vector<16xf32>,
        %mul3A_134 = arith.constant 16 : i32
        %mul3A_135 = arith.muli %add3A_87, %mul3A_134 : i32
        %get3A_136 = arith.constant 4 : i32
        %get3A_137 = arith.index_cast %get3A_136 : i32 to index
        %get3A_138 = arith.index_cast %mul3A_135 : i32 to index
        %get3A_139 = tpu.vector_load %arg6[%get3A_137, %get3A_138] {strides = array<i32>} : memref<48x640xf32, #tpu.memory_space<vmem>>, vector<16xf32>,
        %broadcast_in_dim3A_140 = arith.constant 4 : i32
        %broadcast_in_dim3A_141 = vector.broadcast %broadcast_in_dim3A_140 : i32 to vector<16xi32>
        tpu.vector_store_idx %arg8[%broadcast_in_dim3A_141, %iota3A], %get3A_139 {add = true} : memref<48x449xf32, #tpu.memory_space<vmem>>[vector<16xi32>, vector<16xi32>], vector<16xf32>,
        %mul3A_142 = arith.constant 16 : i32
        %mul3A_143 = arith.muli %add3A_87, %mul3A_142 : i32
        %get3A_144 = arith.constant 5 : i32
        %get3A_145 = arith.index_cast %get3A_144 : i32 to index
        %get3A_146 = arith.index_cast %mul3A_143 : i32 to index
        %get3A_147 = tpu.vector_load %arg6[%get3A_145, %get3A_146] {strides = array<i32>} : memref<48x640xf32, #tpu.memory_space<vmem>>, vector<16xf32>,
        %broadcast_in_dim3A_148 = arith.constant 5 : i32
        %broadcast_in_dim3A_149 = vector.broadcast %broadcast_in_dim3A_148 : i32 to vector<16xi32>
        tpu.vector_store_idx %arg8[%broadcast_in_dim3A_149, %iota3A], %get3A_147 {add = true} : memref<48x449xf32, #tpu.memory_space<vmem>>[vector<16xi32>, vector<16xi32>], vector<16xf32>,
        %mul3A_150 = arith.constant 16 : i32
        %mul3A_151 = arith.muli %add3A_87, %mul3A_150 : i32
        %get3A_152 = arith.constant 6 : i32
        %get3A_153 = arith.index_cast %get3A_152 : i32 to index
        %get3A_154 = arith.index_cast %mul3A_151 : i32 to index
        %get3A_155 = tpu.vector_load %arg6[%get3A_153, %get3A_154] {strides = array<i32>} : memref<48x640xf32, #tpu.memory_space<vmem>>, vector<16xf32>,
        %broadcast_in_dim3A_156 = arith.constant 6 : i32
        %broadcast_in_dim3A_157 = vector.broadcast %broadcast_in_dim3A_156 : i32 to vector<16xi32>
        tpu.vector_store_idx %arg8[%broadcast_in_dim3A_157, %iota3A], %get3A_155 {add = true} : memref<48x449xf32, #tpu.memory_space<vmem>>[vector<16xi32>, vector<16xi32>], vector<16xf32>,
        %mul3A_158 = arith.constant 16 : i32
        %mul3A_159 = arith.muli %add3A_87, %mul3A_158 : i32
        %get3A_160 = arith.constant 7 : i32
        %get3A_161 = arith.index_cast %get3A_160 : i32 to index
        %get3A_162 = arith.index_cast %mul3A_159 : i32 to index
        %get3A_163 = tpu.vector_load %arg6[%get3A_161, %get3A_162] {strides = array<i32>} : memref<48x640xf32, #tpu.memory_space<vmem>>, vector<16xf32>,
        %broadcast_in_dim3A_164 = arith.constant 7 : i32
        %broadcast_in_dim3A_165 = vector.broadcast %broadcast_in_dim3A_164 : i32 to vector<16xi32>
        tpu.vector_store_idx %arg8[%broadcast_in_dim3A_165, %iota3A], %get3A_163 {add = true} : memref<48x449xf32, #tpu.memory_space<vmem>>[vector<16xi32>, vector<16xi32>], vector<16xf32>,
        %mul3A_166 = arith.constant 16 : i32
        %mul3A_167 = arith.muli %add3A_87, %mul3A_166 : i32
        %get3A_168 = arith.constant 8 : i32
        %get3A_169 = arith.index_cast %get3A_168 : i32 to index
        %get3A_170 = arith.index_cast %mul3A_167 : i32 to index
        %get3A_171 = tpu.vector_load %arg6[%get3A_169, %get3A_170] {strides = array<i32>} : memref<48x640xf32, #tpu.memory_space<vmem>>, vector<16xf32>,
        %broadcast_in_dim3A_172 = arith.constant 8 : i32
        %broadcast_in_dim3A_173 = vector.broadcast %broadcast_in_dim3A_172 : i32 to vector<16xi32>
        tpu.vector_store_idx %arg8[%broadcast_in_dim3A_173, %iota3A], %get3A_171 {add = true} : memref<48x449xf32, #tpu.memory_space<vmem>>[vector<16xi32>, vector<16xi32>], vector<16xf32>,
        %mul3A_174 = arith.constant 16 : i32
        %mul3A_175 = arith.muli %add3A_87, %mul3A_174 : i32
        %get3A_176 = arith.constant 9 : i32
        %get3A_177 = arith.index_cast %get3A_176 : i32 to index
        %get3A_178 = arith.index_cast %mul3A_175 : i32 to index
        %get3A_179 = tpu.vector_load %arg6[%get3A_177, %get3A_178] {strides = array<i32>} : memref<48x640xf32, #tpu.memory_space<vmem>>, vector<16xf32>,
        %broadcast_in_dim3A_180 = arith.constant 9 : i32
        %broadcast_in_dim3A_181 = vector.broadcast %broadcast_in_dim3A_180 : i32 to vector<16xi32>
        tpu.vector_store_idx %arg8[%broadcast_in_dim3A_181, %iota3A], %get3A_179 {add = true} : memref<48x449xf32, #tpu.memory_space<vmem>>[vector<16xi32>, vector<16xi32>], vector<16xf32>,
        %mul3A_182 = arith.constant 16 : i32
        %mul3A_183 = arith.muli %add3A_87, %mul3A_182 : i32
        %get3A_184 = arith.constant 10 : i32
        %get3A_185 = arith.index_cast %get3A_184 : i32 to index
        %get3A_186 = arith.index_cast %mul3A_183 : i32 to index
        %get3A_187 = tpu.vector_load %arg6[%get3A_185, %get3A_186] {strides = array<i32>} : memref<48x640xf32, #tpu.memory_space<vmem>>, vector<16xf32>,
        %broadcast_in_dim3A_188 = arith.constant 10 : i32
        %broadcast_in_dim3A_189 = vector.broadcast %broadcast_in_dim3A_188 : i32 to vector<16xi32>
        tpu.vector_store_idx %arg8[%broadcast_in_dim3A_189, %iota3A], %get3A_187 {add = true} : memref<48x449xf32, #tpu.memory_space<vmem>>[vector<16xi32>, vector<16xi32>], vector<16xf32>,
        %mul3A_190 = arith.constant 16 : i32
        %mul3A_191 = arith.muli %add3A_87, %mul3A_190 : i32
        %get3A_192 = arith.constant 11 : i32
        %get3A_193 = arith.index_cast %get3A_192 : i32 to index
        %get3A_194 = arith.index_cast %mul3A_191 : i32 to index
        %get3A_195 = tpu.vector_load %arg6[%get3A_193, %get3A_194] {strides = array<i32>} : memref<48x640xf32, #tpu.memory_space<vmem>>, vector<16xf32>,
        %broadcast_in_dim3A_196 = arith.constant 11 : i32
        %broadcast_in_dim3A_197 = vector.broadcast %broadcast_in_dim3A_196 : i32 to vector<16xi32>
        tpu.vector_store_idx %arg8[%broadcast_in_dim3A_197, %iota3A], %get3A_195 {add = true} : memref<48x449xf32, #tpu.memory_space<vmem>>[vector<16xi32>, vector<16xi32>], vector<16xf32>,
        %mul3A_198 = arith.constant 16 : i32
        %mul3A_199 = arith.muli %add3A_87, %mul3A_198 : i32
        %get3A_200 = arith.constant 12 : i32
        %get3A_201 = arith.index_cast %get3A_200 : i32 to index
        %get3A_202 = arith.index_cast %mul3A_199 : i32 to index
        %get3A_203 = tpu.vector_load %arg6[%get3A_201, %get3A_202] {strides = array<i32>} : memref<48x640xf32, #tpu.memory_space<vmem>>, vector<16xf32>,
        %broadcast_in_dim3A_204 = arith.constant 12 : i32
        %broadcast_in_dim3A_205 = vector.broadcast %broadcast_in_dim3A_204 : i32 to vector<16xi32>
        tpu.vector_store_idx %arg8[%broadcast_in_dim3A_205, %iota3A], %get3A_203 {add = true} : memref<48x449xf32, #tpu.memory_space<vmem>>[vector<16xi32>, vector<16xi32>], vector<16xf32>,
        %mul3A_206 = arith.constant 16 : i32
        %mul3A_207 = arith.muli %add3A_87, %mul3A_206 : i32
        %get3A_208 = arith.constant 13 : i32
        %get3A_209 = arith.index_cast %get3A_208 : i32 to index
        %get3A_210 = arith.index_cast %mul3A_207 : i32 to index
        %get3A_211 = tpu.vector_load %arg6[%get3A_209, %get3A_210] {strides = array<i32>} : memref<48x640xf32, #tpu.memory_space<vmem>>, vector<16xf32>,
        %broadcast_in_dim3A_212 = arith.constant 13 : i32
        %broadcast_in_dim3A_213 = vector.broadcast %broadcast_in_dim3A_212 : i32 to vector<16xi32>
        tpu.vector_store_idx %arg8[%broadcast_in_dim3A_213, %iota3A], %get3A_211 {add = true} : memref<48x449xf32, #tpu.memory_space<vmem>>[vector<16xi32>, vector<16xi32>], vector<16xf32>,
        %mul3A_214 = arith.constant 16 : i32
        %mul3A_215 = arith.muli %add3A_87, %mul3A_214 : i32
        %get3A_216 = arith.constant 14 : i32
        %get3A_217 = arith.index_cast %get3A_216 : i32 to index
        %get3A_218 = arith.index_cast %mul3A_215 : i32 to index
        %get3A_219 = tpu.vector_load %arg6[%get3A_217, %get3A_218] {strides = array<i32>} : memref<48x640xf32, #tpu.memory_space<vmem>>, vector<16xf32>,
        %broadcast_in_dim3A_220 = arith.constant 14 : i32
        %broadcast_in_dim3A_221 = vector.broadcast %broadcast_in_dim3A_220 : i32 to vector<16xi32>
        tpu.vector_store_idx %arg8[%broadcast_in_dim3A_221, %iota3A], %get3A_219 {add = true} : memref<48x449xf32, #tpu.memory_space<vmem>>[vector<16xi32>, vector<16xi32>], vector<16xf32>,
        %mul3A_222 = arith.constant 16 : i32
        %mul3A_223 = arith.muli %add3A_87, %mul3A_222 : i32
        %get3A_224 = arith.constant 15 : i32
        %get3A_225 = arith.index_cast %get3A_224 : i32 to index
        %get3A_226 = arith.index_cast %mul3A_223 : i32 to index
        %get3A_227 = tpu.vector_load %arg6[%get3A_225, %get3A_226] {strides = array<i32>} : memref<48x640xf32, #tpu.memory_space<vmem>>, vector<16xf32>,
        %broadcast_in_dim3A_228 = arith.constant 15 : i32
        %broadcast_in_dim3A_229 = vector.broadcast %broadcast_in_dim3A_228 : i32 to vector<16xi32>
        tpu.vector_store_idx %arg8[%broadcast_in_dim3A_229, %iota3A], %get3A_227 {add = true} : memref<48x449xf32, #tpu.memory_space<vmem>>[vector<16xi32>, vector<16xi32>], vector<16xf32>,
        %mul3A_230 = arith.constant 16 : i32
        %mul3A_231 = arith.muli %add3A_87, %mul3A_230 : i32
        %get3A_232 = arith.constant 16 : i32
        %get3A_233 = arith.index_cast %get3A_232 : i32 to index
        %get3A_234 = arith.index_cast %mul3A_231 : i32 to index
        %get3A_235 = tpu.vector_load %arg6[%get3A_233, %get3A_234] {strides = array<i32>} : memref<48x640xf32, #tpu.memory_space<vmem>>, vector<16xf32>,
        %broadcast_in_dim3A_236 = arith.constant 16 : i32
        %broadcast_in_dim3A_237 = vector.broadcast %broadcast_in_dim3A_236 : i32 to vector<16xi32>
        tpu.vector_store_idx %arg8[%broadcast_in_dim3A_237, %iota3A], %get3A_235 {add = true} : memref<48x449xf32, #tpu.memory_space<vmem>>[vector<16xi32>, vector<16xi32>], vector<16xf32>,
        %mul3A_238 = arith.constant 16 : i32
        %mul3A_239 = arith.muli %add3A_87, %mul3A_238 : i32
        %get3A_240 = arith.constant 17 : i32
        %get3A_241 = arith.index_cast %get3A_240 : i32 to index
        %get3A_242 = arith.index_cast %mul3A_239 : i32 to index
        %get3A_243 = tpu.vector_load %arg6[%get3A_241, %get3A_242] {strides = array<i32>} : memref<48x640xf32, #tpu.memory_space<vmem>>, vector<16xf32>,
        %broadcast_in_dim3A_244 = arith.constant 17 : i32
        %broadcast_in_dim3A_245 = vector.broadcast %broadcast_in_dim3A_244 : i32 to vector<16xi32>
        tpu.vector_store_idx %arg8[%broadcast_in_dim3A_245, %iota3A], %get3A_243 {add = true} : memref<48x449xf32, #tpu.memory_space<vmem>>[vector<16xi32>, vector<16xi32>], vector<16xf32>,
        %mul3A_246 = arith.constant 16 : i32
        %mul3A_247 = arith.muli %add3A_87, %mul3A_246 : i32
        %get3A_248 = arith.constant 18 : i32
        %get3A_249 = arith.index_cast %get3A_248 : i32 to index
        %get3A_250 = arith.index_cast %mul3A_247 : i32 to index
        %get3A_251 = tpu.vector_load %arg6[%get3A_249, %get3A_250] {strides = array<i32>} : memref<48x640xf32, #tpu.memory_space<vmem>>, vector<16xf32>,
        %broadcast_in_dim3A_252 = arith.constant 18 : i32
        %broadcast_in_dim3A_253 = vector.broadcast %broadcast_in_dim3A_252 : i32 to vector<16xi32>
        tpu.vector_store_idx %arg8[%broadcast_in_dim3A_253, %iota3A], %get3A_251 {add = true} : memref<48x449xf32, #tpu.memory_space<vmem>>[vector<16xi32>, vector<16xi32>], vector<16xf32>,
        %mul3A_254 = arith.constant 16 : i32
        %mul3A_255 = arith.muli %add3A_87, %mul3A_254 : i32
        %get3A_256 = arith.constant 19 : i32
        %get3A_257 = arith.index_cast %get3A_256 : i32 to index
        %get3A_258 = arith.index_cast %mul3A_255 : i32 to index
        %get3A_259 = tpu.vector_load %arg6[%get3A_257, %get3A_258] {strides = array<i32>} : memref<48x640xf32, #tpu.memory_space<vmem>>, vector<16xf32>,
        %broadcast_in_dim3A_260 = arith.constant 19 : i32
        %broadcast_in_dim3A_261 = vector.broadcast %broadcast_in_dim3A_260 : i32 to vector<16xi32>
        tpu.vector_store_idx %arg8[%broadcast_in_dim3A_261, %iota3A], %get3A_259 {add = true} : memref<48x449xf32, #tpu.memory_space<vmem>>[vector<16xi32>, vector<16xi32>], vector<16xf32>,
        %mul3A_262 = arith.constant 16 : i32
        %mul3A_263 = arith.muli %add3A_87, %mul3A_262 : i32
        %get3A_264 = arith.constant 20 : i32
        %get3A_265 = arith.index_cast %get3A_264 : i32 to index
        %get3A_266 = arith.index_cast %mul3A_263 : i32 to index
        %get3A_267 = tpu.vector_load %arg6[%get3A_265, %get3A_266] {strides = array<i32>} : memref<48x640xf32, #tpu.memory_space<vmem>>, vector<16xf32>,
        %broadcast_in_dim3A_268 = arith.constant 20 : i32
        %broadcast_in_dim3A_269 = vector.broadcast %broadcast_in_dim3A_268 : i32 to vector<16xi32>
        tpu.vector_store_idx %arg8[%broadcast_in_dim3A_269, %iota3A], %get3A_267 {add = true} : memref<48x449xf32, #tpu.memory_space<vmem>>[vector<16xi32>, vector<16xi32>], vector<16xf32>,
        %mul3A_270 = arith.constant 16 : i32
        %mul3A_271 = arith.muli %add3A_87, %mul3A_270 : i32
        %get3A_272 = arith.constant 21 : i32
        %get3A_273 = arith.index_cast %get3A_272 : i32 to index
        %get3A_274 = arith.index_cast %mul3A_271 : i32 to index
        %get3A_275 = tpu.vector_load %arg6[%get3A_273, %get3A_274] {strides = array<i32>} : memref<48x640xf32, #tpu.memory_space<vmem>>, vector<16xf32>,
        %broadcast_in_dim3A_276 = arith.constant 21 : i32
        %broadcast_in_dim3A_277 = vector.broadcast %broadcast_in_dim3A_276 : i32 to vector<16xi32>
        tpu.vector_store_idx %arg8[%broadcast_in_dim3A_277, %iota3A], %get3A_275 {add = true} : memref<48x449xf32, #tpu.memory_space<vmem>>[vector<16xi32>, vector<16xi32>], vector<16xf32>,
        %mul3A_278 = arith.constant 16 : i32
        %mul3A_279 = arith.muli %add3A_87, %mul3A_278 : i32
        %get3A_280 = arith.constant 22 : i32
        %get3A_281 = arith.index_cast %get3A_280 : i32 to index
        %get3A_282 = arith.index_cast %mul3A_279 : i32 to index
        %get3A_283 = tpu.vector_load %arg6[%get3A_281, %get3A_282] {strides = array<i32>} : memref<48x640xf32, #tpu.memory_space<vmem>>, vector<16xf32>,
        %broadcast_in_dim3A_284 = arith.constant 22 : i32
        %broadcast_in_dim3A_285 = vector.broadcast %broadcast_in_dim3A_284 : i32 to vector<16xi32>
        tpu.vector_store_idx %arg8[%broadcast_in_dim3A_285, %iota3A], %get3A_283 {add = true} : memref<48x449xf32, #tpu.memory_space<vmem>>[vector<16xi32>, vector<16xi32>], vector<16xf32>,
        %mul3A_286 = arith.constant 16 : i32
        %mul3A_287 = arith.muli %add3A_87, %mul3A_286 : i32
        %get3A_288 = arith.constant 23 : i32
        %get3A_289 = arith.index_cast %get3A_288 : i32 to index
        %get3A_290 = arith.index_cast %mul3A_287 : i32 to index
        %get3A_291 = tpu.vector_load %arg6[%get3A_289, %get3A_290] {strides = array<i32>} : memref<48x640xf32, #tpu.memory_space<vmem>>, vector<16xf32>,
        %broadcast_in_dim3A_292 = arith.constant 23 : i32
        %broadcast_in_dim3A_293 = vector.broadcast %broadcast_in_dim3A_292 : i32 to vector<16xi32>
        tpu.vector_store_idx %arg8[%broadcast_in_dim3A_293, %iota3A], %get3A_291 {add = true} : memref<48x449xf32, #tpu.memory_space<vmem>>[vector<16xi32>, vector<16xi32>], vector<16xf32>,
        %mul3A_294 = arith.constant 16 : i32
        %mul3A_295 = arith.muli %add3A_87, %mul3A_294 : i32
        %get3A_296 = arith.constant 24 : i32
        %get3A_297 = arith.index_cast %get3A_296 : i32 to index
        %get3A_298 = arith.index_cast %mul3A_295 : i32 to index
        %get3A_299 = tpu.vector_load %arg6[%get3A_297, %get3A_298] {strides = array<i32>} : memref<48x640xf32, #tpu.memory_space<vmem>>, vector<16xf32>,
        %broadcast_in_dim3A_300 = arith.constant 24 : i32
        %broadcast_in_dim3A_301 = vector.broadcast %broadcast_in_dim3A_300 : i32 to vector<16xi32>
        tpu.vector_store_idx %arg8[%broadcast_in_dim3A_301, %iota3A], %get3A_299 {add = true} : memref<48x449xf32, #tpu.memory_space<vmem>>[vector<16xi32>, vector<16xi32>], vector<16xf32>,
        %mul3A_302 = arith.constant 16 : i32
        %mul3A_303 = arith.muli %add3A_87, %mul3A_302 : i32
        %get3A_304 = arith.constant 25 : i32
        %get3A_305 = arith.index_cast %get3A_304 : i32 to index
        %get3A_306 = arith.index_cast %mul3A_303 : i32 to index
        %get3A_307 = tpu.vector_load %arg6[%get3A_305, %get3A_306] {strides = array<i32>} : memref<48x640xf32, #tpu.memory_space<vmem>>, vector<16xf32>,
        %broadcast_in_dim3A_308 = arith.constant 25 : i32
        %broadcast_in_dim3A_309 = vector.broadcast %broadcast_in_dim3A_308 : i32 to vector<16xi32>
        tpu.vector_store_idx %arg8[%broadcast_in_dim3A_309, %iota3A], %get3A_307 {add = true} : memref<48x449xf32, #tpu.memory_space<vmem>>[vector<16xi32>, vector<16xi32>], vector<16xf32>,
        %mul3A_310 = arith.constant 16 : i32
        %mul3A_311 = arith.muli %add3A_87, %mul3A_310 : i32
        %get3A_312 = arith.constant 26 : i32
        %get3A_313 = arith.index_cast %get3A_312 : i32 to index
        %get3A_314 = arith.index_cast %mul3A_311 : i32 to index
        %get3A_315 = tpu.vector_load %arg6[%get3A_313, %get3A_314] {strides = array<i32>} : memref<48x640xf32, #tpu.memory_space<vmem>>, vector<16xf32>,
        %broadcast_in_dim3A_316 = arith.constant 26 : i32
        %broadcast_in_dim3A_317 = vector.broadcast %broadcast_in_dim3A_316 : i32 to vector<16xi32>
        tpu.vector_store_idx %arg8[%broadcast_in_dim3A_317, %iota3A], %get3A_315 {add = true} : memref<48x449xf32, #tpu.memory_space<vmem>>[vector<16xi32>, vector<16xi32>], vector<16xf32>,
        %mul3A_318 = arith.constant 16 : i32
        %mul3A_319 = arith.muli %add3A_87, %mul3A_318 : i32
        %get3A_320 = arith.constant 27 : i32
        %get3A_321 = arith.index_cast %get3A_320 : i32 to index
        %get3A_322 = arith.index_cast %mul3A_319 : i32 to index
        %get3A_323 = tpu.vector_load %arg6[%get3A_321, %get3A_322] {strides = array<i32>} : memref<48x640xf32, #tpu.memory_space<vmem>>, vector<16xf32>,
        %broadcast_in_dim3A_324 = arith.constant 27 : i32
        %broadcast_in_dim3A_325 = vector.broadcast %broadcast_in_dim3A_324 : i32 to vector<16xi32>
        tpu.vector_store_idx %arg8[%broadcast_in_dim3A_325, %iota3A], %get3A_323 {add = true} : memref<48x449xf32, #tpu.memory_space<vmem>>[vector<16xi32>, vector<16xi32>], vector<16xf32>,
        %mul3A_326 = arith.constant 16 : i32
        %mul3A_327 = arith.muli %add3A_87, %mul3A_326 : i32
        %get3A_328 = arith.constant 28 : i32
        %get3A_329 = arith.index_cast %get3A_328 : i32 to index
        %get3A_330 = arith.index_cast %mul3A_327 : i32 to index
        %get3A_331 = tpu.vector_load %arg6[%get3A_329, %get3A_330] {strides = array<i32>} : memref<48x640xf32, #tpu.memory_space<vmem>>, vector<16xf32>,
        %broadcast_in_dim3A_332 = arith.constant 28 : i32
        %broadcast_in_dim3A_333 = vector.broadcast %broadcast_in_dim3A_332 : i32 to vector<16xi32>
        tpu.vector_store_idx %arg8[%broadcast_in_dim3A_333, %iota3A], %get3A_331 {add = true} : memref<48x449xf32, #tpu.memory_space<vmem>>[vector<16xi32>, vector<16xi32>], vector<16xf32>,
        %mul3A_334 = arith.constant 16 : i32
        %mul3A_335 = arith.muli %add3A_87, %mul3A_334 : i32
        %get3A_336 = arith.constant 29 : i32
        %get3A_337 = arith.index_cast %get3A_336 : i32 to index
        %get3A_338 = arith.index_cast %mul3A_335 : i32 to index
        %get3A_339 = tpu.vector_load %arg6[%get3A_337, %get3A_338] {strides = array<i32>} : memref<48x640xf32, #tpu.memory_space<vmem>>, vector<16xf32>,
        %broadcast_in_dim3A_340 = arith.constant 29 : i32
        %broadcast_in_dim3A_341 = vector.broadcast %broadcast_in_dim3A_340 : i32 to vector<16xi32>
        tpu.vector_store_idx %arg8[%broadcast_in_dim3A_341, %iota3A], %get3A_339 {add = true} : memref<48x449xf32, #tpu.memory_space<vmem>>[vector<16xi32>, vector<16xi32>], vector<16xf32>,
        %mul3A_342 = arith.constant 16 : i32
        %mul3A_343 = arith.muli %add3A_87, %mul3A_342 : i32
        %get3A_344 = arith.constant 30 : i32
        %get3A_345 = arith.index_cast %get3A_344 : i32 to index
        %get3A_346 = arith.index_cast %mul3A_343 : i32 to index
        %get3A_347 = tpu.vector_load %arg6[%get3A_345, %get3A_346] {strides = array<i32>} : memref<48x640xf32, #tpu.memory_space<vmem>>, vector<16xf32>,
        %broadcast_in_dim3A_348 = arith.constant 30 : i32
        %broadcast_in_dim3A_349 = vector.broadcast %broadcast_in_dim3A_348 : i32 to vector<16xi32>
        tpu.vector_store_idx %arg8[%broadcast_in_dim3A_349, %iota3A], %get3A_347 {add = true} : memref<48x449xf32, #tpu.memory_space<vmem>>[vector<16xi32>, vector<16xi32>], vector<16xf32>,
        %mul3A_350 = arith.constant 16 : i32
        %mul3A_351 = arith.muli %add3A_87, %mul3A_350 : i32
        %get3A_352 = arith.constant 31 : i32
        %get3A_353 = arith.index_cast %get3A_352 : i32 to index
        %get3A_354 = arith.index_cast %mul3A_351 : i32 to index
        %get3A_355 = tpu.vector_load %arg6[%get3A_353, %get3A_354] {strides = array<i32>} : memref<48x640xf32, #tpu.memory_space<vmem>>, vector<16xf32>,
        %broadcast_in_dim3A_356 = arith.constant 31 : i32
        %broadcast_in_dim3A_357 = vector.broadcast %broadcast_in_dim3A_356 : i32 to vector<16xi32>
        tpu.vector_store_idx %arg8[%broadcast_in_dim3A_357, %iota3A], %get3A_355 {add = true} : memref<48x449xf32, #tpu.memory_space<vmem>>[vector<16xi32>, vector<16xi32>], vector<16xf32>,
        %mul3A_358 = arith.constant 16 : i32
        %mul3A_359 = arith.muli %add3A_87, %mul3A_358 : i32
        %get3A_360 = arith.constant 32 : i32
        %get3A_361 = arith.index_cast %get3A_360 : i32 to index
        %get3A_362 = arith.index_cast %mul3A_359 : i32 to index
        %get3A_363 = tpu.vector_load %arg6[%get3A_361, %get3A_362] {strides = array<i32>} : memref<48x640xf32, #tpu.memory_space<vmem>>, vector<16xf32>,
        %broadcast_in_dim3A_364 = arith.constant 32 : i32
        %broadcast_in_dim3A_365 = vector.broadcast %broadcast_in_dim3A_364 : i32 to vector<16xi32>
        tpu.vector_store_idx %arg8[%broadcast_in_dim3A_365, %iota3A], %get3A_363 {add = true} : memref<48x449xf32, #tpu.memory_space<vmem>>[vector<16xi32>, vector<16xi32>], vector<16xf32>,
        %mul3A_366 = arith.constant 16 : i32
        %mul3A_367 = arith.muli %add3A_87, %mul3A_366 : i32
        %get3A_368 = arith.constant 33 : i32
        %get3A_369 = arith.index_cast %get3A_368 : i32 to index
        %get3A_370 = arith.index_cast %mul3A_367 : i32 to index
        %get3A_371 = tpu.vector_load %arg6[%get3A_369, %get3A_370] {strides = array<i32>} : memref<48x640xf32, #tpu.memory_space<vmem>>, vector<16xf32>,
        %broadcast_in_dim3A_372 = arith.constant 33 : i32
        %broadcast_in_dim3A_373 = vector.broadcast %broadcast_in_dim3A_372 : i32 to vector<16xi32>
        tpu.vector_store_idx %arg8[%broadcast_in_dim3A_373, %iota3A], %get3A_371 {add = true} : memref<48x449xf32, #tpu.memory_space<vmem>>[vector<16xi32>, vector<16xi32>], vector<16xf32>,
        %mul3A_374 = arith.constant 16 : i32
        %mul3A_375 = arith.muli %add3A_87, %mul3A_374 : i32
        %get3A_376 = arith.constant 34 : i32
        %get3A_377 = arith.index_cast %get3A_376 : i32 to index
        %get3A_378 = arith.index_cast %mul3A_375 : i32 to index
        %get3A_379 = tpu.vector_load %arg6[%get3A_377, %get3A_378] {strides = array<i32>} : memref<48x640xf32, #tpu.memory_space<vmem>>, vector<16xf32>,
        %broadcast_in_dim3A_380 = arith.constant 34 : i32
        %broadcast_in_dim3A_381 = vector.broadcast %broadcast_in_dim3A_380 : i32 to vector<16xi32>
        tpu.vector_store_idx %arg8[%broadcast_in_dim3A_381, %iota3A], %get3A_379 {add = true} : memref<48x449xf32, #tpu.memory_space<vmem>>[vector<16xi32>, vector<16xi32>], vector<16xf32>,
        %mul3A_382 = arith.constant 16 : i32
        %mul3A_383 = arith.muli %add3A_87, %mul3A_382 : i32
        %get3A_384 = arith.constant 35 : i32
        %get3A_385 = arith.index_cast %get3A_384 : i32 to index
        %get3A_386 = arith.index_cast %mul3A_383 : i32 to index
        %get3A_387 = tpu.vector_load %arg6[%get3A_385, %get3A_386] {strides = array<i32>} : memref<48x640xf32, #tpu.memory_space<vmem>>, vector<16xf32>,
        %broadcast_in_dim3A_388 = arith.constant 35 : i32
        %broadcast_in_dim3A_389 = vector.broadcast %broadcast_in_dim3A_388 : i32 to vector<16xi32>
        tpu.vector_store_idx %arg8[%broadcast_in_dim3A_389, %iota3A], %get3A_387 {add = true} : memref<48x449xf32, #tpu.memory_space<vmem>>[vector<16xi32>, vector<16xi32>], vector<16xf32>,
        %mul3A_390 = arith.constant 16 : i32
        %mul3A_391 = arith.muli %add3A_87, %mul3A_390 : i32
        %get3A_392 = arith.constant 36 : i32
        %get3A_393 = arith.index_cast %get3A_392 : i32 to index
        %get3A_394 = arith.index_cast %mul3A_391 : i32 to index
        %get3A_395 = tpu.vector_load %arg6[%get3A_393, %get3A_394] {strides = array<i32>} : memref<48x640xf32, #tpu.memory_space<vmem>>, vector<16xf32>,
        %broadcast_in_dim3A_396 = arith.constant 36 : i32
        %broadcast_in_dim3A_397 = vector.broadcast %broadcast_in_dim3A_396 : i32 to vector<16xi32>
        tpu.vector_store_idx %arg8[%broadcast_in_dim3A_397, %iota3A], %get3A_395 {add = true} : memref<48x449xf32, #tpu.memory_space<vmem>>[vector<16xi32>, vector<16xi32>], vector<16xf32>,
        %mul3A_398 = arith.constant 16 : i32
        %mul3A_399 = arith.muli %add3A_87, %mul3A_398 : i32
        %get3A_400 = arith.constant 37 : i32
        %get3A_401 = arith.index_cast %get3A_400 : i32 to index
        %get3A_402 = arith.index_cast %mul3A_399 : i32 to index
        %get3A_403 = tpu.vector_load %arg6[%get3A_401, %get3A_402] {strides = array<i32>} : memref<48x640xf32, #tpu.memory_space<vmem>>, vector<16xf32>,
        %broadcast_in_dim3A_404 = arith.constant 37 : i32
        %broadcast_in_dim3A_405 = vector.broadcast %broadcast_in_dim3A_404 : i32 to vector<16xi32>
        tpu.vector_store_idx %arg8[%broadcast_in_dim3A_405, %iota3A], %get3A_403 {add = true} : memref<48x449xf32, #tpu.memory_space<vmem>>[vector<16xi32>, vector<16xi32>], vector<16xf32>,
        %mul3A_406 = arith.constant 16 : i32
        %mul3A_407 = arith.muli %add3A_87, %mul3A_406 : i32
        %get3A_408 = arith.constant 38 : i32
        %get3A_409 = arith.index_cast %get3A_408 : i32 to index
        %get3A_410 = arith.index_cast %mul3A_407 : i32 to index
        %get3A_411 = tpu.vector_load %arg6[%get3A_409, %get3A_410] {strides = array<i32>} : memref<48x640xf32, #tpu.memory_space<vmem>>, vector<16xf32>,
        %broadcast_in_dim3A_412 = arith.constant 38 : i32
        %broadcast_in_dim3A_413 = vector.broadcast %broadcast_in_dim3A_412 : i32 to vector<16xi32>
        tpu.vector_store_idx %arg8[%broadcast_in_dim3A_413, %iota3A], %get3A_411 {add = true} : memref<48x449xf32, #tpu.memory_space<vmem>>[vector<16xi32>, vector<16xi32>], vector<16xf32>,
        %mul3A_414 = arith.constant 16 : i32
        %mul3A_415 = arith.muli %add3A_87, %mul3A_414 : i32
        %get3A_416 = arith.constant 39 : i32
        %get3A_417 = arith.index_cast %get3A_416 : i32 to index
        %get3A_418 = arith.index_cast %mul3A_415 : i32 to index
        %get3A_419 = tpu.vector_load %arg6[%get3A_417, %get3A_418] {strides = array<i32>} : memref<48x640xf32, #tpu.memory_space<vmem>>, vector<16xf32>,
        %broadcast_in_dim3A_420 = arith.constant 39 : i32
        %broadcast_in_dim3A_421 = vector.broadcast %broadcast_in_dim3A_420 : i32 to vector<16xi32>
        tpu.vector_store_idx %arg8[%broadcast_in_dim3A_421, %iota3A], %get3A_419 {add = true} : memref<48x449xf32, #tpu.memory_space<vmem>>[vector<16xi32>, vector<16xi32>], vector<16xf32>,
        %mul3A_422 = arith.constant 16 : i32
        %mul3A_423 = arith.muli %add3A_87, %mul3A_422 : i32
        %get3A_424 = arith.constant 40 : i32
        %get3A_425 = arith.index_cast %get3A_424 : i32 to index
        %get3A_426 = arith.index_cast %mul3A_423 : i32 to index
        %get3A_427 = tpu.vector_load %arg6[%get3A_425, %get3A_426] {strides = array<i32>} : memref<48x640xf32, #tpu.memory_space<vmem>>, vector<16xf32>,
        %broadcast_in_dim3A_428 = arith.constant 40 : i32
        %broadcast_in_dim3A_429 = vector.broadcast %broadcast_in_dim3A_428 : i32 to vector<16xi32>
        tpu.vector_store_idx %arg8[%broadcast_in_dim3A_429, %iota3A], %get3A_427 {add = true} : memref<48x449xf32, #tpu.memory_space<vmem>>[vector<16xi32>, vector<16xi32>], vector<16xf32>,
        %mul3A_430 = arith.constant 16 : i32
        %mul3A_431 = arith.muli %add3A_87, %mul3A_430 : i32
        %get3A_432 = arith.constant 41 : i32
        %get3A_433 = arith.index_cast %get3A_432 : i32 to index
        %get3A_434 = arith.index_cast %mul3A_431 : i32 to index
        %get3A_435 = tpu.vector_load %arg6[%get3A_433, %get3A_434] {strides = array<i32>} : memref<48x640xf32, #tpu.memory_space<vmem>>, vector<16xf32>,
        %broadcast_in_dim3A_436 = arith.constant 41 : i32
        %broadcast_in_dim3A_437 = vector.broadcast %broadcast_in_dim3A_436 : i32 to vector<16xi32>
        tpu.vector_store_idx %arg8[%broadcast_in_dim3A_437, %iota3A], %get3A_435 {add = true} : memref<48x449xf32, #tpu.memory_space<vmem>>[vector<16xi32>, vector<16xi32>], vector<16xf32>,
        %mul3A_438 = arith.constant 16 : i32
        %mul3A_439 = arith.muli %add3A_87, %mul3A_438 : i32
        %get3A_440 = arith.constant 42 : i32
        %get3A_441 = arith.index_cast %get3A_440 : i32 to index
        %get3A_442 = arith.index_cast %mul3A_439 : i32 to index
        %get3A_443 = tpu.vector_load %arg6[%get3A_441, %get3A_442] {strides = array<i32>} : memref<48x640xf32, #tpu.memory_space<vmem>>, vector<16xf32>,
        %broadcast_in_dim3A_444 = arith.constant 42 : i32
        %broadcast_in_dim3A_445 = vector.broadcast %broadcast_in_dim3A_444 : i32 to vector<16xi32>
        tpu.vector_store_idx %arg8[%broadcast_in_dim3A_445, %iota3A], %get3A_443 {add = true} : memref<48x449xf32, #tpu.memory_space<vmem>>[vector<16xi32>, vector<16xi32>], vector<16xf32>,
        %mul3A_446 = arith.constant 16 : i32
        %mul3A_447 = arith.muli %add3A_87, %mul3A_446 : i32
        %get3A_448 = arith.constant 43 : i32
        %get3A_449 = arith.index_cast %get3A_448 : i32 to index
        %get3A_450 = arith.index_cast %mul3A_447 : i32 to index
        %get3A_451 = tpu.vector_load %arg6[%get3A_449, %get3A_450] {strides = array<i32>} : memref<48x640xf32, #tpu.memory_space<vmem>>, vector<16xf32>,
        %broadcast_in_dim3A_452 = arith.constant 43 : i32
        %broadcast_in_dim3A_453 = vector.broadcast %broadcast_in_dim3A_452 : i32 to vector<16xi32>
        tpu.vector_store_idx %arg8[%broadcast_in_dim3A_453, %iota3A], %get3A_451 {add = true} : memref<48x449xf32, #tpu.memory_space<vmem>>[vector<16xi32>, vector<16xi32>], vector<16xf32>,
        %mul3A_454 = arith.constant 16 : i32
        %mul3A_455 = arith.muli %add3A_87, %mul3A_454 : i32
        %get3A_456 = arith.constant 44 : i32
        %get3A_457 = arith.index_cast %get3A_456 : i32 to index
        %get3A_458 = arith.index_cast %mul3A_455 : i32 to index
        %get3A_459 = tpu.vector_load %arg6[%get3A_457, %get3A_458] {strides = array<i32>} : memref<48x640xf32, #tpu.memory_space<vmem>>, vector<16xf32>,
        %broadcast_in_dim3A_460 = arith.constant 44 : i32
        %broadcast_in_dim3A_461 = vector.broadcast %broadcast_in_dim3A_460 : i32 to vector<16xi32>
        tpu.vector_store_idx %arg8[%broadcast_in_dim3A_461, %iota3A], %get3A_459 {add = true} : memref<48x449xf32, #tpu.memory_space<vmem>>[vector<16xi32>, vector<16xi32>], vector<16xf32>,
        %mul3A_462 = arith.constant 16 : i32
        %mul3A_463 = arith.muli %add3A_87, %mul3A_462 : i32
        %get3A_464 = arith.constant 45 : i32
        %get3A_465 = arith.index_cast %get3A_464 : i32 to index
        %get3A_466 = arith.index_cast %mul3A_463 : i32 to index
        %get3A_467 = tpu.vector_load %arg6[%get3A_465, %get3A_466] {strides = array<i32>} : memref<48x640xf32, #tpu.memory_space<vmem>>, vector<16xf32>,
        %broadcast_in_dim3A_468 = arith.constant 45 : i32
        %broadcast_in_dim3A_469 = vector.broadcast %broadcast_in_dim3A_468 : i32 to vector<16xi32>
        tpu.vector_store_idx %arg8[%broadcast_in_dim3A_469, %iota3A], %get3A_467 {add = true} : memref<48x449xf32, #tpu.memory_space<vmem>>[vector<16xi32>, vector<16xi32>], vector<16xf32>,
        %mul3A_470 = arith.constant 16 : i32
        %mul3A_471 = arith.muli %add3A_87, %mul3A_470 : i32
        %get3A_472 = arith.constant 46 : i32
        %get3A_473 = arith.index_cast %get3A_472 : i32 to index
        %get3A_474 = arith.index_cast %mul3A_471 : i32 to index
        %get3A_475 = tpu.vector_load %arg6[%get3A_473, %get3A_474] {strides = array<i32>} : memref<48x640xf32, #tpu.memory_space<vmem>>, vector<16xf32>,
        %broadcast_in_dim3A_476 = arith.constant 46 : i32
        %broadcast_in_dim3A_477 = vector.broadcast %broadcast_in_dim3A_476 : i32 to vector<16xi32>
        tpu.vector_store_idx %arg8[%broadcast_in_dim3A_477, %iota3A], %get3A_475 {add = true} : memref<48x449xf32, #tpu.memory_space<vmem>>[vector<16xi32>, vector<16xi32>], vector<16xf32>,
        %mul3A_478 = arith.constant 16 : i32
        %mul3A_479 = arith.muli %add3A_87, %mul3A_478 : i32
        %get3A_480 = arith.constant 47 : i32
        %get3A_481 = arith.index_cast %get3A_480 : i32 to index
        %get3A_482 = arith.index_cast %mul3A_479 : i32 to index
        %get3A_483 = tpu.vector_load %arg6[%get3A_481, %get3A_482] {strides = array<i32>} : memref<48x640xf32, #tpu.memory_space<vmem>>, vector<16xf32>,
        %broadcast_in_dim3A_484 = arith.constant 47 : i32
        %broadcast_in_dim3A_485 = vector.broadcast %broadcast_in_dim3A_484 : i32 to vector<16xi32>
        tpu.vector_store_idx %arg8[%broadcast_in_dim3A_485, %iota3A], %get3A_483 {add = true} : memref<48x449xf32, #tpu.memory_space<vmem>>[vector<16xi32>, vector<16xi32>], vector<16xf32>,
      }
      %scan3A_82 = arith.constant 40 : i32
    }
    %while3A_70 = arith.constant 1 : i32
    scf.for %while3A_73 = %while3A_68 to %while3A_64 step %while3A_70  : i32 {
      %mul3A_74 = arith.muli %while3A_73, %while3A : i32
      %add3A_75 = arith.addi %select_n3A, %mul3A_74 : i32
      %mul3A_76 = arith.constant 640 : i32
      %mul3A_77 = arith.muli %add3A_75, %mul3A_76 : i32
      "tpu.region"() ({
        %run_scoped3A = tpu.sem_alloc : memref<!tpu.dma_semaphore, #tpu.memory_space<semaphore_mem>>
        %dma_start3A = arith.constant 0 : i32
        %dma_start3A_83 = tpu.memref_slice %arg2[%dma_start3A, %mul3A_77] : memref<48x320000xf32, #tpu.memory_space<hbm>> -> memref<48x640xf32, #tpu.memory_space<hbm>>
        %dma_start3A_84 = arith.constant 0 : i32
        %dma_start3A_85 = tpu.memref_slice %arg2[%dma_start3A_84, %mul3A_77] : memref<48x320000xf32, #tpu.memory_space<hbm>> -> memref<48x640xf32, #tpu.memory_space<hbm>>
        tpu.enqueue_dma source(%dma_start3A_85 : memref<48x640xf32, #tpu.memory_space<hbm>>) target(%arg6 : memref<48x640xf32, #tpu.memory_space<vmem>>) target_semaphore(%run_scoped3A : memref<!tpu.dma_semaphore, #tpu.memory_space<semaphore_mem>>)
        %dma_wait3A = arith.constant 0 : i32
        %dma_wait3A_86 = tpu.memref_slice %arg2[%dma_wait3A, %mul3A_77] : memref<48x320000xf32, #tpu.memory_space<hbm>> -> memref<48x640xf32, #tpu.memory_space<hbm>>
        %dma_wait3A_87 = arith.constant 0 : i32
        %dma_wait3A_88 = tpu.memref_slice %arg2[%dma_wait3A_87, %mul3A_77] : memref<48x320000xf32, #tpu.memory_space<hbm>> -> memref<48x640xf32, #tpu.memory_space<hbm>>
        tpu.wait_dma2 semaphore(%run_scoped3A : memref<!tpu.dma_semaphore, #tpu.memory_space<semaphore_mem>>) src(%dma_wait3A_88 : memref<48x640xf32, #tpu.memory_space<hbm>>) dst(%arg6 : memref<48x640xf32, #tpu.memory_space<vmem>>)
        tpu.yield
      }) : () -> ()
      "tpu.region"() ({
        %run_scoped3A = tpu.sem_alloc : memref<!tpu.dma_semaphore, #tpu.memory_space<semaphore_mem>>
        %dma_start3A = tpu.memref_slice %arg3[%mul3A_77] : memref<320000xi32, #tpu.memory_space<hbm>> -> memref<640xi32, #tpu.memory_space<hbm>>
        %dma_start3A_83 = tpu.memref_slice %arg3[%mul3A_77] : memref<320000xi32, #tpu.memory_space<hbm>> -> memref<640xi32, #tpu.memory_space<hbm>>
        tpu.enqueue_dma source(%dma_start3A_83 : memref<640xi32, #tpu.memory_space<hbm>>) target(%arg7 : memref<640xi32, #tpu.memory_space<vmem>>) target_semaphore(%run_scoped3A : memref<!tpu.dma_semaphore, #tpu.memory_space<semaphore_mem>>)
        %dma_wait3A = tpu.memref_slice %arg3[%mul3A_77] : memref<320000xi32, #tpu.memory_space<hbm>> -> memref<640xi32, #tpu.memory_space<hbm>>
        %dma_wait3A_84 = tpu.memref_slice %arg3[%mul3A_77] : memref<320000xi32, #tpu.memory_space<hbm>> -> memref<640xi32, #tpu.memory_space<hbm>>
        tpu.wait_dma2 semaphore(%run_scoped3A : memref<!tpu.dma_semaphore, #tpu.memory_space<semaphore_mem>>) src(%dma_wait3A_84 : memref<640xi32, #tpu.memory_space<hbm>>) dst(%arg7 : memref<640xi32, #tpu.memory_space<vmem>>)
        tpu.yield
      }) : () -> ()
      %scan3A_78 = arith.constant 0 : i32
      %scan3A_79 = arith.constant 40 : i32
      %scan3A_80 = arith.addi %scan3A_78, %scan3A_79 : i32
      %scan3A_81 = arith.constant 1 : i32
      scf.for %scan3A_83 = %scan3A_78 to %scan3A_80 step %scan3A_81  : i32 {
        %mul3A_84 = arith.constant 1 : i32
        %mul3A_85 = arith.muli %scan3A_83, %mul3A_84 : i32
        %add3A_86 = arith.constant 0 : i32
        %add3A_87 = arith.addi %add3A_86, %mul3A_85 : i32
        %mul3A_88 = arith.constant 16 : i32
        %mul3A_89 = arith.muli %add3A_87, %mul3A_88 : i32
        %get3A_90 = arith.index_cast %mul3A_89 : i32 to index
        %get3A_91 = tpu.vector_load %arg7[%get3A_90] {strides = array<i32>} : memref<640xi32, #tpu.memory_space<vmem>>, vector<16xi32>,
        %sub3A_92 = vector.broadcast %mul3A_2 : i32 to vector<16xi32>
        %sub3A_93 = arith.subi %get3A_91, %sub3A_92 : vector<16xi32>
        %ge3A = arith.constant 0 : i32
        %ge3A_94 = vector.broadcast %ge3A : i32 to vector<16xi32>
        %ge3A_95 = arith.cmpi sge, %sub3A_93, %ge3A_94 : vector<16xi32>
        %lt3A = arith.constant 320 : i32
        %lt3A_96 = vector.broadcast %lt3A : i32 to vector<16xi32>
        %lt3A_97 = arith.cmpi slt, %sub3A_93, %lt3A_96 : vector<16xi32>
        %and3A_98 = arith.andi %ge3A_95, %lt3A_97 : vector<16xi1>
        %jit3A_99 = arith.constant 320 : i32
        %broadcast_in_dim3A_100 = vector.broadcast %jit3A_99 : i32 to vector<16xi32>
        %select_n3A_101 = arith.select %and3A_98, %sub3A_93, %broadcast_in_dim3A_100 : vector<16xi1>, vector<16xi32>
        %iota3A = tpu.iota {dimensions = array<i32: 0>} : vector<16xi32>
        %mul3A_102 = arith.constant 16 : i32
        %mul3A_103 = arith.muli %add3A_87, %mul3A_102 : i32
        %get3A_104 = arith.constant 0 : i32
        %get3A_105 = arith.index_cast %get3A_104 : i32 to index
        %get3A_106 = arith.index_cast %mul3A_103 : i32 to index
        %get3A_107 = tpu.vector_load %arg6[%get3A_105, %get3A_106] {strides = array<i32>} : memref<48x640xf32, #tpu.memory_space<vmem>>, vector<16xf32>,
        %broadcast_in_dim3A_108 = arith.constant 0 : i32
        %broadcast_in_dim3A_109 = vector.broadcast %broadcast_in_dim3A_108 : i32 to vector<16xi32>
        tpu.vector_store_idx %arg8[%broadcast_in_dim3A_109, %iota3A], %get3A_107 {add = true} : memref<48x449xf32, #tpu.memory_space<vmem>>[vector<16xi32>, vector<16xi32>], vector<16xf32>,
        %mul3A_110 = arith.constant 16 : i32
        %mul3A_111 = arith.muli %add3A_87, %mul3A_110 : i32
        %get3A_112 = arith.constant 1 : i32
        %get3A_113 = arith.index_cast %get3A_112 : i32 to index
        %get3A_114 = arith.index_cast %mul3A_111 : i32 to index
        %get3A_115 = tpu.vector_load %arg6[%get3A_113, %get3A_114] {strides = array<i32>} : memref<48x640xf32, #tpu.memory_space<vmem>>, vector<16xf32>,
        %broadcast_in_dim3A_116 = arith.constant 1 : i32
        %broadcast_in_dim3A_117 = vector.broadcast %broadcast_in_dim3A_116 : i32 to vector<16xi32>
        tpu.vector_store_idx %arg8[%broadcast_in_dim3A_117, %iota3A], %get3A_115 {add = true} : memref<48x449xf32, #tpu.memory_space<vmem>>[vector<16xi32>, vector<16xi32>], vector<16xf32>,
        %mul3A_118 = arith.constant 16 : i32
        %mul3A_119 = arith.muli %add3A_87, %mul3A_118 : i32
        %get3A_120 = arith.constant 2 : i32
        %get3A_121 = arith.index_cast %get3A_120 : i32 to index
        %get3A_122 = arith.index_cast %mul3A_119 : i32 to index
        %get3A_123 = tpu.vector_load %arg6[%get3A_121, %get3A_122] {strides = array<i32>} : memref<48x640xf32, #tpu.memory_space<vmem>>, vector<16xf32>,
        %broadcast_in_dim3A_124 = arith.constant 2 : i32
        %broadcast_in_dim3A_125 = vector.broadcast %broadcast_in_dim3A_124 : i32 to vector<16xi32>
        tpu.vector_store_idx %arg8[%broadcast_in_dim3A_125, %iota3A], %get3A_123 {add = true} : memref<48x449xf32, #tpu.memory_space<vmem>>[vector<16xi32>, vector<16xi32>], vector<16xf32>,
        %mul3A_126 = arith.constant 16 : i32
        %mul3A_127 = arith.muli %add3A_87, %mul3A_126 : i32
        %get3A_128 = arith.constant 3 : i32
        %get3A_129 = arith.index_cast %get3A_128 : i32 to index
        %get3A_130 = arith.index_cast %mul3A_127 : i32 to index
        %get3A_131 = tpu.vector_load %arg6[%get3A_129, %get3A_130] {strides = array<i32>} : memref<48x640xf32, #tpu.memory_space<vmem>>, vector<16xf32>,
        %broadcast_in_dim3A_132 = arith.constant 3 : i32
        %broadcast_in_dim3A_133 = vector.broadcast %broadcast_in_dim3A_132 : i32 to vector<16xi32>
        tpu.vector_store_idx %arg8[%broadcast_in_dim3A_133, %iota3A], %get3A_131 {add = true} : memref<48x449xf32, #tpu.memory_space<vmem>>[vector<16xi32>, vector<16xi32>], vector<16xf32>,
        %mul3A_134 = arith.constant 16 : i32
        %mul3A_135 = arith.muli %add3A_87, %mul3A_134 : i32
        %get3A_136 = arith.constant 4 : i32
        %get3A_137 = arith.index_cast %get3A_136 : i32 to index
        %get3A_138 = arith.index_cast %mul3A_135 : i32 to index
        %get3A_139 = tpu.vector_load %arg6[%get3A_137, %get3A_138] {strides = array<i32>} : memref<48x640xf32, #tpu.memory_space<vmem>>, vector<16xf32>,
        %broadcast_in_dim3A_140 = arith.constant 4 : i32
        %broadcast_in_dim3A_141 = vector.broadcast %broadcast_in_dim3A_140 : i32 to vector<16xi32>
        tpu.vector_store_idx %arg8[%broadcast_in_dim3A_141, %iota3A], %get3A_139 {add = true} : memref<48x449xf32, #tpu.memory_space<vmem>>[vector<16xi32>, vector<16xi32>], vector<16xf32>,
        %mul3A_142 = arith.constant 16 : i32
        %mul3A_143 = arith.muli %add3A_87, %mul3A_142 : i32
        %get3A_144 = arith.constant 5 : i32
        %get3A_145 = arith.index_cast %get3A_144 : i32 to index
        %get3A_146 = arith.index_cast %mul3A_143 : i32 to index
        %get3A_147 = tpu.vector_load %arg6[%get3A_145, %get3A_146] {strides = array<i32>} : memref<48x640xf32, #tpu.memory_space<vmem>>, vector<16xf32>,
        %broadcast_in_dim3A_148 = arith.constant 5 : i32
        %broadcast_in_dim3A_149 = vector.broadcast %broadcast_in_dim3A_148 : i32 to vector<16xi32>
        tpu.vector_store_idx %arg8[%broadcast_in_dim3A_149, %iota3A], %get3A_147 {add = true} : memref<48x449xf32, #tpu.memory_space<vmem>>[vector<16xi32>, vector<16xi32>], vector<16xf32>,
        %mul3A_150 = arith.constant 16 : i32
        %mul3A_151 = arith.muli %add3A_87, %mul3A_150 : i32
        %get3A_152 = arith.constant 6 : i32
        %get3A_153 = arith.index_cast %get3A_152 : i32 to index
        %get3A_154 = arith.index_cast %mul3A_151 : i32 to index
        %get3A_155 = tpu.vector_load %arg6[%get3A_153, %get3A_154] {strides = array<i32>} : memref<48x640xf32, #tpu.memory_space<vmem>>, vector<16xf32>,
        %broadcast_in_dim3A_156 = arith.constant 6 : i32
        %broadcast_in_dim3A_157 = vector.broadcast %broadcast_in_dim3A_156 : i32 to vector<16xi32>
        tpu.vector_store_idx %arg8[%broadcast_in_dim3A_157, %iota3A], %get3A_155 {add = true} : memref<48x449xf32, #tpu.memory_space<vmem>>[vector<16xi32>, vector<16xi32>], vector<16xf32>,
        %mul3A_158 = arith.constant 16 : i32
        %mul3A_159 = arith.muli %add3A_87, %mul3A_158 : i32
        %get3A_160 = arith.constant 7 : i32
        %get3A_161 = arith.index_cast %get3A_160 : i32 to index
        %get3A_162 = arith.index_cast %mul3A_159 : i32 to index
        %get3A_163 = tpu.vector_load %arg6[%get3A_161, %get3A_162] {strides = array<i32>} : memref<48x640xf32, #tpu.memory_space<vmem>>, vector<16xf32>,
        %broadcast_in_dim3A_164 = arith.constant 7 : i32
        %broadcast_in_dim3A_165 = vector.broadcast %broadcast_in_dim3A_164 : i32 to vector<16xi32>
        tpu.vector_store_idx %arg8[%broadcast_in_dim3A_165, %iota3A], %get3A_163 {add = true} : memref<48x449xf32, #tpu.memory_space<vmem>>[vector<16xi32>, vector<16xi32>], vector<16xf32>,
        %mul3A_166 = arith.constant 16 : i32
        %mul3A_167 = arith.muli %add3A_87, %mul3A_166 : i32
        %get3A_168 = arith.constant 8 : i32
        %get3A_169 = arith.index_cast %get3A_168 : i32 to index
        %get3A_170 = arith.index_cast %mul3A_167 : i32 to index
        %get3A_171 = tpu.vector_load %arg6[%get3A_169, %get3A_170] {strides = array<i32>} : memref<48x640xf32, #tpu.memory_space<vmem>>, vector<16xf32>,
        %broadcast_in_dim3A_172 = arith.constant 8 : i32
        %broadcast_in_dim3A_173 = vector.broadcast %broadcast_in_dim3A_172 : i32 to vector<16xi32>
        tpu.vector_store_idx %arg8[%broadcast_in_dim3A_173, %iota3A], %get3A_171 {add = true} : memref<48x449xf32, #tpu.memory_space<vmem>>[vector<16xi32>, vector<16xi32>], vector<16xf32>,
        %mul3A_174 = arith.constant 16 : i32
        %mul3A_175 = arith.muli %add3A_87, %mul3A_174 : i32
        %get3A_176 = arith.constant 9 : i32
        %get3A_177 = arith.index_cast %get3A_176 : i32 to index
        %get3A_178 = arith.index_cast %mul3A_175 : i32 to index
        %get3A_179 = tpu.vector_load %arg6[%get3A_177, %get3A_178] {strides = array<i32>} : memref<48x640xf32, #tpu.memory_space<vmem>>, vector<16xf32>,
        %broadcast_in_dim3A_180 = arith.constant 9 : i32
        %broadcast_in_dim3A_181 = vector.broadcast %broadcast_in_dim3A_180 : i32 to vector<16xi32>
        tpu.vector_store_idx %arg8[%broadcast_in_dim3A_181, %iota3A], %get3A_179 {add = true} : memref<48x449xf32, #tpu.memory_space<vmem>>[vector<16xi32>, vector<16xi32>], vector<16xf32>,
        %mul3A_182 = arith.constant 16 : i32
        %mul3A_183 = arith.muli %add3A_87, %mul3A_182 : i32
        %get3A_184 = arith.constant 10 : i32
        %get3A_185 = arith.index_cast %get3A_184 : i32 to index
        %get3A_186 = arith.index_cast %mul3A_183 : i32 to index
        %get3A_187 = tpu.vector_load %arg6[%get3A_185, %get3A_186] {strides = array<i32>} : memref<48x640xf32, #tpu.memory_space<vmem>>, vector<16xf32>,
        %broadcast_in_dim3A_188 = arith.constant 10 : i32
        %broadcast_in_dim3A_189 = vector.broadcast %broadcast_in_dim3A_188 : i32 to vector<16xi32>
        tpu.vector_store_idx %arg8[%broadcast_in_dim3A_189, %iota3A], %get3A_187 {add = true} : memref<48x449xf32, #tpu.memory_space<vmem>>[vector<16xi32>, vector<16xi32>], vector<16xf32>,
        %mul3A_190 = arith.constant 16 : i32
        %mul3A_191 = arith.muli %add3A_87, %mul3A_190 : i32
        %get3A_192 = arith.constant 11 : i32
        %get3A_193 = arith.index_cast %get3A_192 : i32 to index
        %get3A_194 = arith.index_cast %mul3A_191 : i32 to index
        %get3A_195 = tpu.vector_load %arg6[%get3A_193, %get3A_194] {strides = array<i32>} : memref<48x640xf32, #tpu.memory_space<vmem>>, vector<16xf32>,
        %broadcast_in_dim3A_196 = arith.constant 11 : i32
        %broadcast_in_dim3A_197 = vector.broadcast %broadcast_in_dim3A_196 : i32 to vector<16xi32>
        tpu.vector_store_idx %arg8[%broadcast_in_dim3A_197, %iota3A], %get3A_195 {add = true} : memref<48x449xf32, #tpu.memory_space<vmem>>[vector<16xi32>, vector<16xi32>], vector<16xf32>,
        %mul3A_198 = arith.constant 16 : i32
        %mul3A_199 = arith.muli %add3A_87, %mul3A_198 : i32
        %get3A_200 = arith.constant 12 : i32
        %get3A_201 = arith.index_cast %get3A_200 : i32 to index
        %get3A_202 = arith.index_cast %mul3A_199 : i32 to index
        %get3A_203 = tpu.vector_load %arg6[%get3A_201, %get3A_202] {strides = array<i32>} : memref<48x640xf32, #tpu.memory_space<vmem>>, vector<16xf32>,
        %broadcast_in_dim3A_204 = arith.constant 12 : i32
        %broadcast_in_dim3A_205 = vector.broadcast %broadcast_in_dim3A_204 : i32 to vector<16xi32>
        tpu.vector_store_idx %arg8[%broadcast_in_dim3A_205, %iota3A], %get3A_203 {add = true} : memref<48x449xf32, #tpu.memory_space<vmem>>[vector<16xi32>, vector<16xi32>], vector<16xf32>,
        %mul3A_206 = arith.constant 16 : i32
        %mul3A_207 = arith.muli %add3A_87, %mul3A_206 : i32
        %get3A_208 = arith.constant 13 : i32
        %get3A_209 = arith.index_cast %get3A_208 : i32 to index
        %get3A_210 = arith.index_cast %mul3A_207 : i32 to index
        %get3A_211 = tpu.vector_load %arg6[%get3A_209, %get3A_210] {strides = array<i32>} : memref<48x640xf32, #tpu.memory_space<vmem>>, vector<16xf32>,
        %broadcast_in_dim3A_212 = arith.constant 13 : i32
        %broadcast_in_dim3A_213 = vector.broadcast %broadcast_in_dim3A_212 : i32 to vector<16xi32>
        tpu.vector_store_idx %arg8[%broadcast_in_dim3A_213, %iota3A], %get3A_211 {add = true} : memref<48x449xf32, #tpu.memory_space<vmem>>[vector<16xi32>, vector<16xi32>], vector<16xf32>,
        %mul3A_214 = arith.constant 16 : i32
        %mul3A_215 = arith.muli %add3A_87, %mul3A_214 : i32
        %get3A_216 = arith.constant 14 : i32
        %get3A_217 = arith.index_cast %get3A_216 : i32 to index
        %get3A_218 = arith.index_cast %mul3A_215 : i32 to index
        %get3A_219 = tpu.vector_load %arg6[%get3A_217, %get3A_218] {strides = array<i32>} : memref<48x640xf32, #tpu.memory_space<vmem>>, vector<16xf32>,
        %broadcast_in_dim3A_220 = arith.constant 14 : i32
        %broadcast_in_dim3A_221 = vector.broadcast %broadcast_in_dim3A_220 : i32 to vector<16xi32>
        tpu.vector_store_idx %arg8[%broadcast_in_dim3A_221, %iota3A], %get3A_219 {add = true} : memref<48x449xf32, #tpu.memory_space<vmem>>[vector<16xi32>, vector<16xi32>], vector<16xf32>,
        %mul3A_222 = arith.constant 16 : i32
        %mul3A_223 = arith.muli %add3A_87, %mul3A_222 : i32
        %get3A_224 = arith.constant 15 : i32
        %get3A_225 = arith.index_cast %get3A_224 : i32 to index
        %get3A_226 = arith.index_cast %mul3A_223 : i32 to index
        %get3A_227 = tpu.vector_load %arg6[%get3A_225, %get3A_226] {strides = array<i32>} : memref<48x640xf32, #tpu.memory_space<vmem>>, vector<16xf32>,
        %broadcast_in_dim3A_228 = arith.constant 15 : i32
        %broadcast_in_dim3A_229 = vector.broadcast %broadcast_in_dim3A_228 : i32 to vector<16xi32>
        tpu.vector_store_idx %arg8[%broadcast_in_dim3A_229, %iota3A], %get3A_227 {add = true} : memref<48x449xf32, #tpu.memory_space<vmem>>[vector<16xi32>, vector<16xi32>], vector<16xf32>,
        %mul3A_230 = arith.constant 16 : i32
        %mul3A_231 = arith.muli %add3A_87, %mul3A_230 : i32
        %get3A_232 = arith.constant 16 : i32
        %get3A_233 = arith.index_cast %get3A_232 : i32 to index
        %get3A_234 = arith.index_cast %mul3A_231 : i32 to index
        %get3A_235 = tpu.vector_load %arg6[%get3A_233, %get3A_234] {strides = array<i32>} : memref<48x640xf32, #tpu.memory_space<vmem>>, vector<16xf32>,
        %broadcast_in_dim3A_236 = arith.constant 16 : i32
        %broadcast_in_dim3A_237 = vector.broadcast %broadcast_in_dim3A_236 : i32 to vector<16xi32>
        tpu.vector_store_idx %arg8[%broadcast_in_dim3A_237, %iota3A], %get3A_235 {add = true} : memref<48x449xf32, #tpu.memory_space<vmem>>[vector<16xi32>, vector<16xi32>], vector<16xf32>,
        %mul3A_238 = arith.constant 16 : i32
        %mul3A_239 = arith.muli %add3A_87, %mul3A_238 : i32
        %get3A_240 = arith.constant 17 : i32
        %get3A_241 = arith.index_cast %get3A_240 : i32 to index
        %get3A_242 = arith.index_cast %mul3A_239 : i32 to index
        %get3A_243 = tpu.vector_load %arg6[%get3A_241, %get3A_242] {strides = array<i32>} : memref<48x640xf32, #tpu.memory_space<vmem>>, vector<16xf32>,
        %broadcast_in_dim3A_244 = arith.constant 17 : i32
        %broadcast_in_dim3A_245 = vector.broadcast %broadcast_in_dim3A_244 : i32 to vector<16xi32>
        tpu.vector_store_idx %arg8[%broadcast_in_dim3A_245, %iota3A], %get3A_243 {add = true} : memref<48x449xf32, #tpu.memory_space<vmem>>[vector<16xi32>, vector<16xi32>], vector<16xf32>,
        %mul3A_246 = arith.constant 16 : i32
        %mul3A_247 = arith.muli %add3A_87, %mul3A_246 : i32
        %get3A_248 = arith.constant 18 : i32
        %get3A_249 = arith.index_cast %get3A_248 : i32 to index
        %get3A_250 = arith.index_cast %mul3A_247 : i32 to index
        %get3A_251 = tpu.vector_load %arg6[%get3A_249, %get3A_250] {strides = array<i32>} : memref<48x640xf32, #tpu.memory_space<vmem>>, vector<16xf32>,
        %broadcast_in_dim3A_252 = arith.constant 18 : i32
        %broadcast_in_dim3A_253 = vector.broadcast %broadcast_in_dim3A_252 : i32 to vector<16xi32>
        tpu.vector_store_idx %arg8[%broadcast_in_dim3A_253, %iota3A], %get3A_251 {add = true} : memref<48x449xf32, #tpu.memory_space<vmem>>[vector<16xi32>, vector<16xi32>], vector<16xf32>,
        %mul3A_254 = arith.constant 16 : i32
        %mul3A_255 = arith.muli %add3A_87, %mul3A_254 : i32
        %get3A_256 = arith.constant 19 : i32
        %get3A_257 = arith.index_cast %get3A_256 : i32 to index
        %get3A_258 = arith.index_cast %mul3A_255 : i32 to index
        %get3A_259 = tpu.vector_load %arg6[%get3A_257, %get3A_258] {strides = array<i32>} : memref<48x640xf32, #tpu.memory_space<vmem>>, vector<16xf32>,
        %broadcast_in_dim3A_260 = arith.constant 19 : i32
        %broadcast_in_dim3A_261 = vector.broadcast %broadcast_in_dim3A_260 : i32 to vector<16xi32>
        tpu.vector_store_idx %arg8[%broadcast_in_dim3A_261, %iota3A], %get3A_259 {add = true} : memref<48x449xf32, #tpu.memory_space<vmem>>[vector<16xi32>, vector<16xi32>], vector<16xf32>,
        %mul3A_262 = arith.constant 16 : i32
        %mul3A_263 = arith.muli %add3A_87, %mul3A_262 : i32
        %get3A_264 = arith.constant 20 : i32
        %get3A_265 = arith.index_cast %get3A_264 : i32 to index
        %get3A_266 = arith.index_cast %mul3A_263 : i32 to index
        %get3A_267 = tpu.vector_load %arg6[%get3A_265, %get3A_266] {strides = array<i32>} : memref<48x640xf32, #tpu.memory_space<vmem>>, vector<16xf32>,
        %broadcast_in_dim3A_268 = arith.constant 20 : i32
        %broadcast_in_dim3A_269 = vector.broadcast %broadcast_in_dim3A_268 : i32 to vector<16xi32>
        tpu.vector_store_idx %arg8[%broadcast_in_dim3A_269, %iota3A], %get3A_267 {add = true} : memref<48x449xf32, #tpu.memory_space<vmem>>[vector<16xi32>, vector<16xi32>], vector<16xf32>,
        %mul3A_270 = arith.constant 16 : i32
        %mul3A_271 = arith.muli %add3A_87, %mul3A_270 : i32
        %get3A_272 = arith.constant 21 : i32
        %get3A_273 = arith.index_cast %get3A_272 : i32 to index
        %get3A_274 = arith.index_cast %mul3A_271 : i32 to index
        %get3A_275 = tpu.vector_load %arg6[%get3A_273, %get3A_274] {strides = array<i32>} : memref<48x640xf32, #tpu.memory_space<vmem>>, vector<16xf32>,
        %broadcast_in_dim3A_276 = arith.constant 21 : i32
        %broadcast_in_dim3A_277 = vector.broadcast %broadcast_in_dim3A_276 : i32 to vector<16xi32>
        tpu.vector_store_idx %arg8[%broadcast_in_dim3A_277, %iota3A], %get3A_275 {add = true} : memref<48x449xf32, #tpu.memory_space<vmem>>[vector<16xi32>, vector<16xi32>], vector<16xf32>,
        %mul3A_278 = arith.constant 16 : i32
        %mul3A_279 = arith.muli %add3A_87, %mul3A_278 : i32
        %get3A_280 = arith.constant 22 : i32
        %get3A_281 = arith.index_cast %get3A_280 : i32 to index
        %get3A_282 = arith.index_cast %mul3A_279 : i32 to index
        %get3A_283 = tpu.vector_load %arg6[%get3A_281, %get3A_282] {strides = array<i32>} : memref<48x640xf32, #tpu.memory_space<vmem>>, vector<16xf32>,
        %broadcast_in_dim3A_284 = arith.constant 22 : i32
        %broadcast_in_dim3A_285 = vector.broadcast %broadcast_in_dim3A_284 : i32 to vector<16xi32>
        tpu.vector_store_idx %arg8[%broadcast_in_dim3A_285, %iota3A], %get3A_283 {add = true} : memref<48x449xf32, #tpu.memory_space<vmem>>[vector<16xi32>, vector<16xi32>], vector<16xf32>,
        %mul3A_286 = arith.constant 16 : i32
        %mul3A_287 = arith.muli %add3A_87, %mul3A_286 : i32
        %get3A_288 = arith.constant 23 : i32
        %get3A_289 = arith.index_cast %get3A_288 : i32 to index
        %get3A_290 = arith.index_cast %mul3A_287 : i32 to index
        %get3A_291 = tpu.vector_load %arg6[%get3A_289, %get3A_290] {strides = array<i32>} : memref<48x640xf32, #tpu.memory_space<vmem>>, vector<16xf32>,
        %broadcast_in_dim3A_292 = arith.constant 23 : i32
        %broadcast_in_dim3A_293 = vector.broadcast %broadcast_in_dim3A_292 : i32 to vector<16xi32>
        tpu.vector_store_idx %arg8[%broadcast_in_dim3A_293, %iota3A], %get3A_291 {add = true} : memref<48x449xf32, #tpu.memory_space<vmem>>[vector<16xi32>, vector<16xi32>], vector<16xf32>,
        %mul3A_294 = arith.constant 16 : i32
        %mul3A_295 = arith.muli %add3A_87, %mul3A_294 : i32
        %get3A_296 = arith.constant 24 : i32
        %get3A_297 = arith.index_cast %get3A_296 : i32 to index
        %get3A_298 = arith.index_cast %mul3A_295 : i32 to index
        %get3A_299 = tpu.vector_load %arg6[%get3A_297, %get3A_298] {strides = array<i32>} : memref<48x640xf32, #tpu.memory_space<vmem>>, vector<16xf32>,
        %broadcast_in_dim3A_300 = arith.constant 24 : i32
        %broadcast_in_dim3A_301 = vector.broadcast %broadcast_in_dim3A_300 : i32 to vector<16xi32>
        tpu.vector_store_idx %arg8[%broadcast_in_dim3A_301, %iota3A], %get3A_299 {add = true} : memref<48x449xf32, #tpu.memory_space<vmem>>[vector<16xi32>, vector<16xi32>], vector<16xf32>,
        %mul3A_302 = arith.constant 16 : i32
        %mul3A_303 = arith.muli %add3A_87, %mul3A_302 : i32
        %get3A_304 = arith.constant 25 : i32
        %get3A_305 = arith.index_cast %get3A_304 : i32 to index
        %get3A_306 = arith.index_cast %mul3A_303 : i32 to index
        %get3A_307 = tpu.vector_load %arg6[%get3A_305, %get3A_306] {strides = array<i32>} : memref<48x640xf32, #tpu.memory_space<vmem>>, vector<16xf32>,
        %broadcast_in_dim3A_308 = arith.constant 25 : i32
        %broadcast_in_dim3A_309 = vector.broadcast %broadcast_in_dim3A_308 : i32 to vector<16xi32>
        tpu.vector_store_idx %arg8[%broadcast_in_dim3A_309, %iota3A], %get3A_307 {add = true} : memref<48x449xf32, #tpu.memory_space<vmem>>[vector<16xi32>, vector<16xi32>], vector<16xf32>,
        %mul3A_310 = arith.constant 16 : i32
        %mul3A_311 = arith.muli %add3A_87, %mul3A_310 : i32
        %get3A_312 = arith.constant 26 : i32
        %get3A_313 = arith.index_cast %get3A_312 : i32 to index
        %get3A_314 = arith.index_cast %mul3A_311 : i32 to index
        %get3A_315 = tpu.vector_load %arg6[%get3A_313, %get3A_314] {strides = array<i32>} : memref<48x640xf32, #tpu.memory_space<vmem>>, vector<16xf32>,
        %broadcast_in_dim3A_316 = arith.constant 26 : i32
        %broadcast_in_dim3A_317 = vector.broadcast %broadcast_in_dim3A_316 : i32 to vector<16xi32>
        tpu.vector_store_idx %arg8[%broadcast_in_dim3A_317, %iota3A], %get3A_315 {add = true} : memref<48x449xf32, #tpu.memory_space<vmem>>[vector<16xi32>, vector<16xi32>], vector<16xf32>,
        %mul3A_318 = arith.constant 16 : i32
        %mul3A_319 = arith.muli %add3A_87, %mul3A_318 : i32
        %get3A_320 = arith.constant 27 : i32
        %get3A_321 = arith.index_cast %get3A_320 : i32 to index
        %get3A_322 = arith.index_cast %mul3A_319 : i32 to index
        %get3A_323 = tpu.vector_load %arg6[%get3A_321, %get3A_322] {strides = array<i32>} : memref<48x640xf32, #tpu.memory_space<vmem>>, vector<16xf32>,
        %broadcast_in_dim3A_324 = arith.constant 27 : i32
        %broadcast_in_dim3A_325 = vector.broadcast %broadcast_in_dim3A_324 : i32 to vector<16xi32>
        tpu.vector_store_idx %arg8[%broadcast_in_dim3A_325, %iota3A], %get3A_323 {add = true} : memref<48x449xf32, #tpu.memory_space<vmem>>[vector<16xi32>, vector<16xi32>], vector<16xf32>,
        %mul3A_326 = arith.constant 16 : i32
        %mul3A_327 = arith.muli %add3A_87, %mul3A_326 : i32
        %get3A_328 = arith.constant 28 : i32
        %get3A_329 = arith.index_cast %get3A_328 : i32 to index
        %get3A_330 = arith.index_cast %mul3A_327 : i32 to index
        %get3A_331 = tpu.vector_load %arg6[%get3A_329, %get3A_330] {strides = array<i32>} : memref<48x640xf32, #tpu.memory_space<vmem>>, vector<16xf32>,
        %broadcast_in_dim3A_332 = arith.constant 28 : i32
        %broadcast_in_dim3A_333 = vector.broadcast %broadcast_in_dim3A_332 : i32 to vector<16xi32>
        tpu.vector_store_idx %arg8[%broadcast_in_dim3A_333, %iota3A], %get3A_331 {add = true} : memref<48x449xf32, #tpu.memory_space<vmem>>[vector<16xi32>, vector<16xi32>], vector<16xf32>,
        %mul3A_334 = arith.constant 16 : i32
        %mul3A_335 = arith.muli %add3A_87, %mul3A_334 : i32
        %get3A_336 = arith.constant 29 : i32
        %get3A_337 = arith.index_cast %get3A_336 : i32 to index
        %get3A_338 = arith.index_cast %mul3A_335 : i32 to index
        %get3A_339 = tpu.vector_load %arg6[%get3A_337, %get3A_338] {strides = array<i32>} : memref<48x640xf32, #tpu.memory_space<vmem>>, vector<16xf32>,
        %broadcast_in_dim3A_340 = arith.constant 29 : i32
        %broadcast_in_dim3A_341 = vector.broadcast %broadcast_in_dim3A_340 : i32 to vector<16xi32>
        tpu.vector_store_idx %arg8[%broadcast_in_dim3A_341, %iota3A], %get3A_339 {add = true} : memref<48x449xf32, #tpu.memory_space<vmem>>[vector<16xi32>, vector<16xi32>], vector<16xf32>,
        %mul3A_342 = arith.constant 16 : i32
        %mul3A_343 = arith.muli %add3A_87, %mul3A_342 : i32
        %get3A_344 = arith.constant 30 : i32
        %get3A_345 = arith.index_cast %get3A_344 : i32 to index
        %get3A_346 = arith.index_cast %mul3A_343 : i32 to index
        %get3A_347 = tpu.vector_load %arg6[%get3A_345, %get3A_346] {strides = array<i32>} : memref<48x640xf32, #tpu.memory_space<vmem>>, vector<16xf32>,
        %broadcast_in_dim3A_348 = arith.constant 30 : i32
        %broadcast_in_dim3A_349 = vector.broadcast %broadcast_in_dim3A_348 : i32 to vector<16xi32>
        tpu.vector_store_idx %arg8[%broadcast_in_dim3A_349, %iota3A], %get3A_347 {add = true} : memref<48x449xf32, #tpu.memory_space<vmem>>[vector<16xi32>, vector<16xi32>], vector<16xf32>,
        %mul3A_350 = arith.constant 16 : i32
        %mul3A_351 = arith.muli %add3A_87, %mul3A_350 : i32
        %get3A_352 = arith.constant 31 : i32
        %get3A_353 = arith.index_cast %get3A_352 : i32 to index
        %get3A_354 = arith.index_cast %mul3A_351 : i32 to index
        %get3A_355 = tpu.vector_load %arg6[%get3A_353, %get3A_354] {strides = array<i32>} : memref<48x640xf32, #tpu.memory_space<vmem>>, vector<16xf32>,
        %broadcast_in_dim3A_356 = arith.constant 31 : i32
        %broadcast_in_dim3A_357 = vector.broadcast %broadcast_in_dim3A_356 : i32 to vector<16xi32>
        tpu.vector_store_idx %arg8[%broadcast_in_dim3A_357, %iota3A], %get3A_355 {add = true} : memref<48x449xf32, #tpu.memory_space<vmem>>[vector<16xi32>, vector<16xi32>], vector<16xf32>,
        %mul3A_358 = arith.constant 16 : i32
        %mul3A_359 = arith.muli %add3A_87, %mul3A_358 : i32
        %get3A_360 = arith.constant 32 : i32
        %get3A_361 = arith.index_cast %get3A_360 : i32 to index
        %get3A_362 = arith.index_cast %mul3A_359 : i32 to index
        %get3A_363 = tpu.vector_load %arg6[%get3A_361, %get3A_362] {strides = array<i32>} : memref<48x640xf32, #tpu.memory_space<vmem>>, vector<16xf32>,
        %broadcast_in_dim3A_364 = arith.constant 32 : i32
        %broadcast_in_dim3A_365 = vector.broadcast %broadcast_in_dim3A_364 : i32 to vector<16xi32>
        tpu.vector_store_idx %arg8[%broadcast_in_dim3A_365, %iota3A], %get3A_363 {add = true} : memref<48x449xf32, #tpu.memory_space<vmem>>[vector<16xi32>, vector<16xi32>], vector<16xf32>,
        %mul3A_366 = arith.constant 16 : i32
        %mul3A_367 = arith.muli %add3A_87, %mul3A_366 : i32
        %get3A_368 = arith.constant 33 : i32
        %get3A_369 = arith.index_cast %get3A_368 : i32 to index
        %get3A_370 = arith.index_cast %mul3A_367 : i32 to index
        %get3A_371 = tpu.vector_load %arg6[%get3A_369, %get3A_370] {strides = array<i32>} : memref<48x640xf32, #tpu.memory_space<vmem>>, vector<16xf32>,
        %broadcast_in_dim3A_372 = arith.constant 33 : i32
        %broadcast_in_dim3A_373 = vector.broadcast %broadcast_in_dim3A_372 : i32 to vector<16xi32>
        tpu.vector_store_idx %arg8[%broadcast_in_dim3A_373, %iota3A], %get3A_371 {add = true} : memref<48x449xf32, #tpu.memory_space<vmem>>[vector<16xi32>, vector<16xi32>], vector<16xf32>,
        %mul3A_374 = arith.constant 16 : i32
        %mul3A_375 = arith.muli %add3A_87, %mul3A_374 : i32
        %get3A_376 = arith.constant 34 : i32
        %get3A_377 = arith.index_cast %get3A_376 : i32 to index
        %get3A_378 = arith.index_cast %mul3A_375 : i32 to index
        %get3A_379 = tpu.vector_load %arg6[%get3A_377, %get3A_378] {strides = array<i32>} : memref<48x640xf32, #tpu.memory_space<vmem>>, vector<16xf32>,
        %broadcast_in_dim3A_380 = arith.constant 34 : i32
        %broadcast_in_dim3A_381 = vector.broadcast %broadcast_in_dim3A_380 : i32 to vector<16xi32>
        tpu.vector_store_idx %arg8[%broadcast_in_dim3A_381, %iota3A], %get3A_379 {add = true} : memref<48x449xf32, #tpu.memory_space<vmem>>[vector<16xi32>, vector<16xi32>], vector<16xf32>,
        %mul3A_382 = arith.constant 16 : i32
        %mul3A_383 = arith.muli %add3A_87, %mul3A_382 : i32
        %get3A_384 = arith.constant 35 : i32
        %get3A_385 = arith.index_cast %get3A_384 : i32 to index
        %get3A_386 = arith.index_cast %mul3A_383 : i32 to index
        %get3A_387 = tpu.vector_load %arg6[%get3A_385, %get3A_386] {strides = array<i32>} : memref<48x640xf32, #tpu.memory_space<vmem>>, vector<16xf32>,
        %broadcast_in_dim3A_388 = arith.constant 35 : i32
        %broadcast_in_dim3A_389 = vector.broadcast %broadcast_in_dim3A_388 : i32 to vector<16xi32>
        tpu.vector_store_idx %arg8[%broadcast_in_dim3A_389, %iota3A], %get3A_387 {add = true} : memref<48x449xf32, #tpu.memory_space<vmem>>[vector<16xi32>, vector<16xi32>], vector<16xf32>,
        %mul3A_390 = arith.constant 16 : i32
        %mul3A_391 = arith.muli %add3A_87, %mul3A_390 : i32
        %get3A_392 = arith.constant 36 : i32
        %get3A_393 = arith.index_cast %get3A_392 : i32 to index
        %get3A_394 = arith.index_cast %mul3A_391 : i32 to index
        %get3A_395 = tpu.vector_load %arg6[%get3A_393, %get3A_394] {strides = array<i32>} : memref<48x640xf32, #tpu.memory_space<vmem>>, vector<16xf32>,
        %broadcast_in_dim3A_396 = arith.constant 36 : i32
        %broadcast_in_dim3A_397 = vector.broadcast %broadcast_in_dim3A_396 : i32 to vector<16xi32>
        tpu.vector_store_idx %arg8[%broadcast_in_dim3A_397, %iota3A], %get3A_395 {add = true} : memref<48x449xf32, #tpu.memory_space<vmem>>[vector<16xi32>, vector<16xi32>], vector<16xf32>,
        %mul3A_398 = arith.constant 16 : i32
        %mul3A_399 = arith.muli %add3A_87, %mul3A_398 : i32
        %get3A_400 = arith.constant 37 : i32
        %get3A_401 = arith.index_cast %get3A_400 : i32 to index
        %get3A_402 = arith.index_cast %mul3A_399 : i32 to index
        %get3A_403 = tpu.vector_load %arg6[%get3A_401, %get3A_402] {strides = array<i32>} : memref<48x640xf32, #tpu.memory_space<vmem>>, vector<16xf32>,
        %broadcast_in_dim3A_404 = arith.constant 37 : i32
        %broadcast_in_dim3A_405 = vector.broadcast %broadcast_in_dim3A_404 : i32 to vector<16xi32>
        tpu.vector_store_idx %arg8[%broadcast_in_dim3A_405, %iota3A], %get3A_403 {add = true} : memref<48x449xf32, #tpu.memory_space<vmem>>[vector<16xi32>, vector<16xi32>], vector<16xf32>,
        %mul3A_406 = arith.constant 16 : i32
        %mul3A_407 = arith.muli %add3A_87, %mul3A_406 : i32
        %get3A_408 = arith.constant 38 : i32
        %get3A_409 = arith.index_cast %get3A_408 : i32 to index
        %get3A_410 = arith.index_cast %mul3A_407 : i32 to index
        %get3A_411 = tpu.vector_load %arg6[%get3A_409, %get3A_410] {strides = array<i32>} : memref<48x640xf32, #tpu.memory_space<vmem>>, vector<16xf32>,
        %broadcast_in_dim3A_412 = arith.constant 38 : i32
        %broadcast_in_dim3A_413 = vector.broadcast %broadcast_in_dim3A_412 : i32 to vector<16xi32>
        tpu.vector_store_idx %arg8[%broadcast_in_dim3A_413, %iota3A], %get3A_411 {add = true} : memref<48x449xf32, #tpu.memory_space<vmem>>[vector<16xi32>, vector<16xi32>], vector<16xf32>,
        %mul3A_414 = arith.constant 16 : i32
        %mul3A_415 = arith.muli %add3A_87, %mul3A_414 : i32
        %get3A_416 = arith.constant 39 : i32
        %get3A_417 = arith.index_cast %get3A_416 : i32 to index
        %get3A_418 = arith.index_cast %mul3A_415 : i32 to index
        %get3A_419 = tpu.vector_load %arg6[%get3A_417, %get3A_418] {strides = array<i32>} : memref<48x640xf32, #tpu.memory_space<vmem>>, vector<16xf32>,
        %broadcast_in_dim3A_420 = arith.constant 39 : i32
        %broadcast_in_dim3A_421 = vector.broadcast %broadcast_in_dim3A_420 : i32 to vector<16xi32>
        tpu.vector_store_idx %arg8[%broadcast_in_dim3A_421, %iota3A], %get3A_419 {add = true} : memref<48x449xf32, #tpu.memory_space<vmem>>[vector<16xi32>, vector<16xi32>], vector<16xf32>,
        %mul3A_422 = arith.constant 16 : i32
        %mul3A_423 = arith.muli %add3A_87, %mul3A_422 : i32
        %get3A_424 = arith.constant 40 : i32
        %get3A_425 = arith.index_cast %get3A_424 : i32 to index
        %get3A_426 = arith.index_cast %mul3A_423 : i32 to index
        %get3A_427 = tpu.vector_load %arg6[%get3A_425, %get3A_426] {strides = array<i32>} : memref<48x640xf32, #tpu.memory_space<vmem>>, vector<16xf32>,
        %broadcast_in_dim3A_428 = arith.constant 40 : i32
        %broadcast_in_dim3A_429 = vector.broadcast %broadcast_in_dim3A_428 : i32 to vector<16xi32>
        tpu.vector_store_idx %arg8[%broadcast_in_dim3A_429, %iota3A], %get3A_427 {add = true} : memref<48x449xf32, #tpu.memory_space<vmem>>[vector<16xi32>, vector<16xi32>], vector<16xf32>,
        %mul3A_430 = arith.constant 16 : i32
        %mul3A_431 = arith.muli %add3A_87, %mul3A_430 : i32
        %get3A_432 = arith.constant 41 : i32
        %get3A_433 = arith.index_cast %get3A_432 : i32 to index
        %get3A_434 = arith.index_cast %mul3A_431 : i32 to index
        %get3A_435 = tpu.vector_load %arg6[%get3A_433, %get3A_434] {strides = array<i32>} : memref<48x640xf32, #tpu.memory_space<vmem>>, vector<16xf32>,
        %broadcast_in_dim3A_436 = arith.constant 41 : i32
        %broadcast_in_dim3A_437 = vector.broadcast %broadcast_in_dim3A_436 : i32 to vector<16xi32>
        tpu.vector_store_idx %arg8[%broadcast_in_dim3A_437, %iota3A], %get3A_435 {add = true} : memref<48x449xf32, #tpu.memory_space<vmem>>[vector<16xi32>, vector<16xi32>], vector<16xf32>,
        %mul3A_438 = arith.constant 16 : i32
        %mul3A_439 = arith.muli %add3A_87, %mul3A_438 : i32
        %get3A_440 = arith.constant 42 : i32
        %get3A_441 = arith.index_cast %get3A_440 : i32 to index
        %get3A_442 = arith.index_cast %mul3A_439 : i32 to index
        %get3A_443 = tpu.vector_load %arg6[%get3A_441, %get3A_442] {strides = array<i32>} : memref<48x640xf32, #tpu.memory_space<vmem>>, vector<16xf32>,
        %broadcast_in_dim3A_444 = arith.constant 42 : i32
        %broadcast_in_dim3A_445 = vector.broadcast %broadcast_in_dim3A_444 : i32 to vector<16xi32>
        tpu.vector_store_idx %arg8[%broadcast_in_dim3A_445, %iota3A], %get3A_443 {add = true} : memref<48x449xf32, #tpu.memory_space<vmem>>[vector<16xi32>, vector<16xi32>], vector<16xf32>,
        %mul3A_446 = arith.constant 16 : i32
        %mul3A_447 = arith.muli %add3A_87, %mul3A_446 : i32
        %get3A_448 = arith.constant 43 : i32
        %get3A_449 = arith.index_cast %get3A_448 : i32 to index
        %get3A_450 = arith.index_cast %mul3A_447 : i32 to index
        %get3A_451 = tpu.vector_load %arg6[%get3A_449, %get3A_450] {strides = array<i32>} : memref<48x640xf32, #tpu.memory_space<vmem>>, vector<16xf32>,
        %broadcast_in_dim3A_452 = arith.constant 43 : i32
        %broadcast_in_dim3A_453 = vector.broadcast %broadcast_in_dim3A_452 : i32 to vector<16xi32>
        tpu.vector_store_idx %arg8[%broadcast_in_dim3A_453, %iota3A], %get3A_451 {add = true} : memref<48x449xf32, #tpu.memory_space<vmem>>[vector<16xi32>, vector<16xi32>], vector<16xf32>,
        %mul3A_454 = arith.constant 16 : i32
        %mul3A_455 = arith.muli %add3A_87, %mul3A_454 : i32
        %get3A_456 = arith.constant 44 : i32
        %get3A_457 = arith.index_cast %get3A_456 : i32 to index
        %get3A_458 = arith.index_cast %mul3A_455 : i32 to index
        %get3A_459 = tpu.vector_load %arg6[%get3A_457, %get3A_458] {strides = array<i32>} : memref<48x640xf32, #tpu.memory_space<vmem>>, vector<16xf32>,
        %broadcast_in_dim3A_460 = arith.constant 44 : i32
        %broadcast_in_dim3A_461 = vector.broadcast %broadcast_in_dim3A_460 : i32 to vector<16xi32>
        tpu.vector_store_idx %arg8[%broadcast_in_dim3A_461, %iota3A], %get3A_459 {add = true} : memref<48x449xf32, #tpu.memory_space<vmem>>[vector<16xi32>, vector<16xi32>], vector<16xf32>,
        %mul3A_462 = arith.constant 16 : i32
        %mul3A_463 = arith.muli %add3A_87, %mul3A_462 : i32
        %get3A_464 = arith.constant 45 : i32
        %get3A_465 = arith.index_cast %get3A_464 : i32 to index
        %get3A_466 = arith.index_cast %mul3A_463 : i32 to index
        %get3A_467 = tpu.vector_load %arg6[%get3A_465, %get3A_466] {strides = array<i32>} : memref<48x640xf32, #tpu.memory_space<vmem>>, vector<16xf32>,
        %broadcast_in_dim3A_468 = arith.constant 45 : i32
        %broadcast_in_dim3A_469 = vector.broadcast %broadcast_in_dim3A_468 : i32 to vector<16xi32>
        tpu.vector_store_idx %arg8[%broadcast_in_dim3A_469, %iota3A], %get3A_467 {add = true} : memref<48x449xf32, #tpu.memory_space<vmem>>[vector<16xi32>, vector<16xi32>], vector<16xf32>,
        %mul3A_470 = arith.constant 16 : i32
        %mul3A_471 = arith.muli %add3A_87, %mul3A_470 : i32
        %get3A_472 = arith.constant 46 : i32
        %get3A_473 = arith.index_cast %get3A_472 : i32 to index
        %get3A_474 = arith.index_cast %mul3A_471 : i32 to index
        %get3A_475 = tpu.vector_load %arg6[%get3A_473, %get3A_474] {strides = array<i32>} : memref<48x640xf32, #tpu.memory_space<vmem>>, vector<16xf32>,
        %broadcast_in_dim3A_476 = arith.constant 46 : i32
        %broadcast_in_dim3A_477 = vector.broadcast %broadcast_in_dim3A_476 : i32 to vector<16xi32>
        tpu.vector_store_idx %arg8[%broadcast_in_dim3A_477, %iota3A], %get3A_475 {add = true} : memref<48x449xf32, #tpu.memory_space<vmem>>[vector<16xi32>, vector<16xi32>], vector<16xf32>,
        %mul3A_478 = arith.constant 16 : i32
        %mul3A_479 = arith.muli %add3A_87, %mul3A_478 : i32
        %get3A_480 = arith.constant 47 : i32
        %get3A_481 = arith.index_cast %get3A_480 : i32 to index
        %get3A_482 = arith.index_cast %mul3A_479 : i32 to index
        %get3A_483 = tpu.vector_load %arg6[%get3A_481, %get3A_482] {strides = array<i32>} : memref<48x640xf32, #tpu.memory_space<vmem>>, vector<16xf32>,
        %broadcast_in_dim3A_484 = arith.constant 47 : i32
        %broadcast_in_dim3A_485 = vector.broadcast %broadcast_in_dim3A_484 : i32 to vector<16xi32>
        tpu.vector_store_idx %arg8[%broadcast_in_dim3A_485, %iota3A], %get3A_483 {add = true} : memref<48x449xf32, #tpu.memory_space<vmem>>[vector<16xi32>, vector<16xi32>], vector<16xf32>,
      }
      %scan3A_82 = arith.constant 40 : i32
    }
    %mul3A_71 = arith.constant 48 : i32
    %mul3A_72 = arith.muli %add3A, %mul3A_71 : i32
    "tpu.region"() ({
      %run_scoped3A = tpu.sem_alloc : memref<!tpu.dma_semaphore, #tpu.memory_space<semaphore_mem>>
      %dma_start3A = arith.constant 0 : i32
      %dma_start3A_73 = tpu.memref_slice %arg5[%mul3A_72, %dma_start3A] : memref<1536x449xf32, #tpu.memory_space<hbm>> -> memref<48x449xf32, #tpu.memory_space<hbm>>
      %dma_start3A_74 = arith.constant 0 : i32
      %dma_start3A_75 = tpu.memref_slice %arg5[%mul3A_72, %dma_start3A_74] : memref<1536x449xf32, #tpu.memory_space<hbm>> -> memref<48x449xf32, #tpu.memory_space<hbm>>
      tpu.enqueue_dma source(%arg8 : memref<48x449xf32, #tpu.memory_space<vmem>>) target(%dma_start3A_75 : memref<48x449xf32, #tpu.memory_space<hbm>>) target_semaphore(%run_scoped3A : memref<!tpu.dma_semaphore, #tpu.memory_space<semaphore_mem>>)
      %dma_wait3A = arith.constant 0 : i32
      %dma_wait3A_76 = tpu.memref_slice %arg5[%mul3A_72, %dma_wait3A] : memref<1536x449xf32, #tpu.memory_space<hbm>> -> memref<48x449xf32, #tpu.memory_space<hbm>>
      %dma_wait3A_77 = arith.constant 0 : i32
      %dma_wait3A_78 = tpu.memref_slice %arg5[%mul3A_72, %dma_wait3A_77] : memref<1536x449xf32, #tpu.memory_space<hbm>> -> memref<48x449xf32, #tpu.memory_space<hbm>>
      tpu.wait_dma2 semaphore(%run_scoped3A : memref<!tpu.dma_semaphore, #tpu.memory_space<semaphore_mem>>) src(%arg8 : memref<48x449xf32, #tpu.memory_space<vmem>>) dst(%dma_wait3A_78 : memref<48x449xf32, #tpu.memory_space<hbm>>)
      tpu.yield
    }) : () -> ()
    return
  }
}

module attributes {stable_mosaic.version = 14 : i64} {
  func.func @_tc_a_body(%arg0: i32, %arg1: memref<16000x128xf32, #tpu.memory_space<vmem>>, %arg2: memref<128x32xf32, #tpu.memory_space<vmem>>, %arg3: memref<32x1xf32, #tpu.memory_space<vmem>>, %arg4: memref<32x1xf32, #tpu.memory_space<vmem>>, %arg5: memref<1x1xf32, #tpu.memory_space<vmem>>, %arg6: memref<48x16000xf32, #tpu.memory_space<vmem>>) attributes {dimension_semantics = [#tpu.dimension_semantics<arbitrary>], iteration_bounds = array<i64: 20>, scalar_prefetch = 0 : i64, scratch_operands = 0 : i64, tpu.core_type = #tpu.core_type<tc>, window_params = [{transform_indices = @transform_0, window_bounds = array<i64: 16000, 128>}, {pipeline_mode = #tpu.pipeline_mode<synchronous>, transform_indices = @transform_1, window_bounds = array<i64: 128, 32>}, {pipeline_mode = #tpu.pipeline_mode<synchronous>, transform_indices = @transform_2, window_bounds = array<i64: 32, 1>}, {pipeline_mode = #tpu.pipeline_mode<synchronous>, transform_indices = @transform_3, window_bounds = array<i64: 32, 1>}, {pipeline_mode = #tpu.pipeline_mode<synchronous>, transform_indices = @transform_4, window_bounds = array<i64: 1, 1>}, {transform_indices = @transform_5, window_bounds = array<i64: 48, 16000>}]} {
    %get3A = arith.constant 0 : index
    %get3A_0 = arith.constant 0 : index
    %get3A_1 = vector.load %arg1[%get3A, %get3A_0] : memref<16000x128xf32, #tpu.memory_space<vmem>>, vector<16000x128xf32>
    %get3A_2 = arith.constant 0 : index
    %get3A_3 = arith.constant 0 : index
    %get3A_4 = vector.load %arg2[%get3A_2, %get3A_3] : memref<128x32xf32, #tpu.memory_space<vmem>>, vector<128x32xf32>
    %dot_general3A = arith.constant dense<0.000000e+00> : vector<32x16000xf32>
    %dot_general3A_5 = tpu.matmul %get3A_4, %get3A_1, %dot_general3A {dimension_numbers = #tpu.dot_dimension_numbers<[0], [1], [1], [0], [0, 1, 1, 0], [], []>, transpose_lhs_hint = false} : vector<128x32xf32>, vector<16000x128xf32>, vector<32x16000xf32> -> vector<32x16000xf32>
    %get3A_6 = arith.constant 0 : index
    %get3A_7 = arith.constant 0 : index
    %get3A_8 = vector.load %arg3[%get3A_6, %get3A_7] : memref<32x1xf32, #tpu.memory_space<vmem>>, vector<32x1xf32>
    %add3A = vector.broadcast %get3A_8 : vector<32x1xf32> to vector<32x16000xf32>
    %add3A_9 = arith.addf %dot_general3A_5, %add3A : vector<32x16000xf32>
    %neg3A = arith.constant 0.000000e+00 : f32
    %neg3A_10 = vector.broadcast %neg3A : f32 to vector<32x16000xf32>
    %neg3A_11 = arith.subf %neg3A_10, %add3A_9 : vector<32x16000xf32>
    %exp3A = math.exp %neg3A_11 : vector<32x16000xf32>
    %add3A_12 = arith.constant 1.000000e+00 : f32
    %add3A_13 = vector.broadcast %add3A_12 : f32 to vector<32x16000xf32>
    %add3A_14 = arith.addf %add3A_13, %exp3A : vector<32x16000xf32>
    %div3A = arith.constant 1.000000e+00 : f32
    %div3A_15 = vector.broadcast %div3A : f32 to vector<32x16000xf32>
    %div3A_16 = arith.divf %div3A_15, %add3A_14 : vector<32x16000xf32>
    %mul3A = arith.mulf %add3A_9, %div3A_16 : vector<32x16000xf32>
    %get3A_17 = arith.constant 0 : index
    %get3A_18 = arith.constant 0 : index
    %get3A_19 = vector.load %arg4[%get3A_17, %get3A_18] : memref<32x1xf32, #tpu.memory_space<vmem>>, vector<32x1xf32>
    %mul3A_20 = vector.broadcast %get3A_19 : vector<32x1xf32> to vector<32x16000xf32>
    %mul3A_21 = arith.mulf %mul3A, %mul3A_20 : vector<32x16000xf32>
    %reduce_sum3A = arith.constant dense<0.000000e+00> : vector<16000xf32>
    %reduce_sum3A_22 = vector.multi_reduction <add>, %mul3A_21, %reduce_sum3A [0] : vector<32x16000xf32> to vector<16000xf32>
    %broadcast_in_dim3A = vector.shape_cast %reduce_sum3A_22 : vector<16000xf32> to vector<1x16000xf32>
    %get3A_23 = arith.constant 0 : index
    %get3A_24 = arith.constant 0 : index
    %get3A_25 = vector.load %arg5[%get3A_23, %get3A_24] : memref<1x1xf32, #tpu.memory_space<vmem>>, vector<1x1xf32>
    %get3A_26 = vector.extract %get3A_25[0, 0] : f32 from vector<1x1xf32>
    %add3A_27 = vector.broadcast %get3A_26 : f32 to vector<1x16000xf32>
    %add3A_28 = arith.addf %broadcast_in_dim3A, %add3A_27 : vector<1x16000xf32>
    %exp3A_29 = math.exp %add3A_28 : vector<1x16000xf32>
    %mul3A_30 = vector.broadcast %exp3A_29 : vector<1x16000xf32> to vector<32x16000xf32>
    %mul3A_31 = arith.mulf %mul3A_30, %mul3A : vector<32x16000xf32>
    %swap3A = arith.constant 0 : index
    %swap3A_32 = arith.constant 0 : index
    %swap3A_33 = vector.load %arg6[%swap3A, %swap3A_32] : memref<48x16000xf32, #tpu.memory_space<vmem>>, vector<32x16000xf32>
    tpu.vector_store %arg6[%swap3A, %swap3A_32], %mul3A_31 {strides = array<i32>} : memref<48x16000xf32, #tpu.memory_space<vmem>>, vector<32x16000xf32>,
    %broadcast_in_dim3A_34 = vector.shape_cast %exp3A_29 : vector<1x16000xf32> to vector<1x16000xf32>
    %broadcast_in_dim3A_35 = vector.broadcast %broadcast_in_dim3A_34 : vector<1x16000xf32> to vector<16x16000xf32>
    %swap3A_36 = arith.constant 32 : index
    %swap3A_37 = arith.constant 0 : index
    %swap3A_38 = vector.load %arg6[%swap3A_36, %swap3A_37] : memref<48x16000xf32, #tpu.memory_space<vmem>>, vector<16x16000xf32>
    tpu.vector_store %arg6[%swap3A_36, %swap3A_37], %broadcast_in_dim3A_35 {strides = array<i32>} : memref<48x16000xf32, #tpu.memory_space<vmem>>, vector<16x16000xf32>,
    return
  }
  func.func @transform_0(%arg0: i32) -> (i32, i32) {
    %c0_i32 = arith.constant 0 : i32
    %c0_i32_0 = arith.constant 0 : i32
    return %arg0, %c0_i32 : i32, i32
  }
  func.func @transform_1(%arg0: i32) -> (i32, i32) {
    %c0_i32 = arith.constant 0 : i32
    %c0_i32_0 = arith.constant 0 : i32
    %c0_i32_1 = arith.constant 0 : i32
    return %c0_i32, %c0_i32_0 : i32, i32
  }
  func.func @transform_2(%arg0: i32) -> (i32, i32) {
    %c0_i32 = arith.constant 0 : i32
    %c0_i32_0 = arith.constant 0 : i32
    %c0_i32_1 = arith.constant 0 : i32
    return %c0_i32, %c0_i32_0 : i32, i32
  }
  func.func @transform_3(%arg0: i32) -> (i32, i32) {
    %c0_i32 = arith.constant 0 : i32
    %c0_i32_0 = arith.constant 0 : i32
    %c0_i32_1 = arith.constant 0 : i32
    return %c0_i32, %c0_i32_0 : i32, i32
  }
  func.func @transform_4(%arg0: i32) -> (i32, i32) {
    %c0_i32 = arith.constant 0 : i32
    %c0_i32_0 = arith.constant 0 : i32
    %c0_i32_1 = arith.constant 0 : i32
    return %c0_i32, %c0_i32_0 : i32, i32
  }
  func.func @transform_5(%arg0: i32) -> (i32, i32) {
    %c0_i32 = arith.constant 0 : i32
    %c0_i32_0 = arith.constant 0 : i32
    return %c0_i32, %arg0 : i32, i32
  }
}

module attributes {stable_mosaic.version = 14 : i64} {
  func.func @_tc_b_body(%arg0: i32, %arg1: memref<48x449xf32, #tpu.memory_space<vmem>>, %arg2: memref<32x128xf32, #tpu.memory_space<vmem>>, %arg3: memref<1x128xf32, #tpu.memory_space<vmem>>, %arg4: memref<320x128xf32, #tpu.memory_space<vmem>>) attributes {dimension_semantics = [#tpu.dimension_semantics<arbitrary>], iteration_bounds = array<i64: 32>, scalar_prefetch = 0 : i64, scratch_operands = 0 : i64, tpu.core_type = #tpu.core_type<tc>, window_params = [{transform_indices = @transform_0, window_bounds = array<i64: 48, 449>}, {pipeline_mode = #tpu.pipeline_mode<synchronous>, transform_indices = @transform_1, window_bounds = array<i64: 32, 128>}, {pipeline_mode = #tpu.pipeline_mode<synchronous>, transform_indices = @transform_2, window_bounds = array<i64: 1, 128>}, {transform_indices = @transform_3, window_bounds = array<i64: 320, 128>}]} {
    %get3A = arith.constant 0 : index
    %get3A_0 = arith.constant 0 : index
    %get3A_1 = vector.load %arg1[%get3A, %get3A_0] : memref<48x449xf32, #tpu.memory_space<vmem>>, vector<48x449xf32>
    %slice3A = vector.extract_strided_slice %get3A_1 {offsets = [0, 0], sizes = [32, 320], strides = [1, 1]} : vector<48x449xf32> to vector<32x320xf32>
    %slice3A_2 = vector.extract_strided_slice %get3A_1 {offsets = [32, 0], sizes = [1, 320], strides = [1, 1]} : vector<48x449xf32> to vector<1x320xf32>
    %gt3A = arith.constant 0.000000e+00 : f32
    %gt3A_3 = vector.broadcast %gt3A : f32 to vector<1x320xf32>
    %gt3A_4 = arith.cmpf ogt, %slice3A_2, %gt3A_3 : vector<1x320xf32>
    %gt3A_5 = arith.constant 0.000000e+00 : f32
    %gt3A_6 = vector.broadcast %gt3A_5 : f32 to vector<1x320xf32>
    %gt3A_7 = arith.cmpf ogt, %slice3A_2, %gt3A_6 : vector<1x320xf32>
    %jit3A = arith.constant 1.000000e+00 : f32
    %broadcast_in_dim3A = vector.broadcast %jit3A : f32 to vector<1x320xf32>
    %select_n3A = arith.select %gt3A_7, %slice3A_2, %broadcast_in_dim3A : vector<1x320xi1>, vector<1x320xf32>
    %div3A = vector.broadcast %select_n3A : vector<1x320xf32> to vector<32x320xf32>
    %div3A_8 = arith.divf %slice3A, %div3A : vector<32x320xf32>
    %jit3A_9 = arith.constant 0.000000e+00 : f32
    %broadcast_in_dim3A_10 = vector.shape_cast %gt3A_4 : vector<1x320xi1> to vector<1x320xi1>
    %broadcast_in_dim3A_11 = vector.broadcast %broadcast_in_dim3A_10 : vector<1x320xi1> to vector<32x320xi1>
    %broadcast_in_dim3A_12 = vector.broadcast %jit3A_9 : f32 to vector<32x320xf32>
    %select_n3A_13 = arith.select %broadcast_in_dim3A_11, %div3A_8, %broadcast_in_dim3A_12 : vector<32x320xi1>, vector<32x320xf32>
    %get3A_14 = arith.constant 0 : index
    %get3A_15 = arith.constant 0 : index
    %get3A_16 = vector.load %arg2[%get3A_14, %get3A_15] : memref<32x128xf32, #tpu.memory_space<vmem>>, vector<32x128xf32>
    %dot_general3A = arith.constant dense<0.000000e+00> : vector<320x128xf32>
    %dot_general3A_17 = tpu.matmul %select_n3A_13, %get3A_16, %dot_general3A {dimension_numbers = #tpu.dot_dimension_numbers<[0], [0], [1], [1], [0, 1, 1, 1], [], []>, transpose_lhs_hint = false} : vector<32x320xf32>, vector<32x128xf32>, vector<320x128xf32> -> vector<320x128xf32>
    %get3A_18 = arith.constant 0 : index
    %get3A_19 = arith.constant 0 : index
    %get3A_20 = vector.load %arg3[%get3A_18, %get3A_19] : memref<1x128xf32, #tpu.memory_space<vmem>>, vector<1x128xf32>
    %add3A = vector.broadcast %get3A_20 : vector<1x128xf32> to vector<320x128xf32>
    %add3A_21 = arith.addf %dot_general3A_17, %add3A : vector<320x128xf32>
    %swap3A = arith.constant 0 : index
    %swap3A_22 = arith.constant 0 : index
    %swap3A_23 = vector.load %arg4[%swap3A, %swap3A_22] : memref<320x128xf32, #tpu.memory_space<vmem>>, vector<320x128xf32>
    tpu.vector_store %arg4[%swap3A, %swap3A_22], %add3A_21 {strides = array<i32>} : memref<320x128xf32, #tpu.memory_space<vmem>>, vector<320x128xf32>,
    return
  }
  func.func @transform_0(%arg0: i32) -> (i32, i32) {
    %c0_i32 = arith.constant 0 : i32
    %c0_i32_0 = arith.constant 0 : i32
    return %arg0, %c0_i32 : i32, i32
  }
  func.func @transform_1(%arg0: i32) -> (i32, i32) {
    %c0_i32 = arith.constant 0 : i32
    %c0_i32_0 = arith.constant 0 : i32
    %c0_i32_1 = arith.constant 0 : i32
    return %c0_i32, %c0_i32_0 : i32, i32
  }
  func.func @transform_2(%arg0: i32) -> (i32, i32) {
    %c0_i32 = arith.constant 0 : i32
    %c0_i32_0 = arith.constant 0 : i32
    %c0_i32_1 = arith.constant 0 : i32
    return %c0_i32, %c0_i32_0 : i32, i32
  }
  func.func @transform_3(%arg0: i32) -> (i32, i32) {
    %c0_i32 = arith.constant 0 : i32
    %c0_i32_0 = arith.constant 0 : i32
    return %arg0, %c0_i32 : i32, i32
  }
}

</mosaic_0001>

<sc_bundles>
// kernel: kernel.5.cloned.1.call-start
scs
__scs_entry_jumppad:
0x0: {  	(pc) =	sbr.rel $0x88, $3  }
0x1: {  	(tag) =	ssettag $0x0;
	lr =	simm.s32 $0x1  }
0x2: {  	[smem:$0x3F99] =	sst lr;
	_ =	strace $0xD0000000  }
0x3: {  	_ = 	snop  }
0x4: {  	_ = 	snop  }
0x5: {  	_ = 	snop  }
0x6: {  	_ = 	snop  }
0x7: {  	_ = 	snop  }
__scs_overlays_trampoline_lowered:
0x8: {  	[smem:$0x3FA8] =	sst s0  }
0x9: {  	[smem:$0x3FA9] =	sst s1  }
0xa: {  	[smem:$0x3FAA] =	sst s2  }
0xb: {  	[smem:$0x3FAB] =	sst s3  }
0xc: {  	[smem:$0x3FAC] =	sst s4  }
0xd: {  	[smem:$0x3FAD] =	sst s5  }
0xe: {  	[smem:$0x3FAE] =	sst s6  }
0xf: {  	[smem:$0x3FAF] =	sst s7  }
0x10: {  	[smem:$0x3FB0] =	sst s8  }
0x11: {  	[smem:$0x3FB1] =	sst s9;
	s0 =	simm.s32 @!p0 $0x0  }
0x12: {  	s1 =	sld [smem:$0x3F97];
	s0 =	simm.s32 @p0 $0x1  }
0x13: {  	[smem:$0x3FB2] =	sst s0;
	s0 =	simm.s32 @!p1 $0x0  }
0x14: {  	s2 =	sld [smem:$0x3F96];
	s0 =	simm.s32 @p1 $0x1  }
0x15: {  	[smem:$0x3FB3] =	sst s0;
	s0 =	simm.s32 @!p2 $0x0  }
0x16: {  	s3 =	sld [smem:$0x3FDB];
	s0 =	simm.s32 @p2 $0x1  }
0x17: {  	s4 =	simm.s32 $0x1BF5;
	[smem:$0x3FB5] =	sst s0  }
0x18: {  	s0 =	sld [smem:$0x3F98];
	_ =	swait.ge [sflag:s4], $0x0  }
0x19: {  	s7 =	sld [smem:$0x3F99]  }
0x1a: {  	s8 =	sadd.s32 $0xFFFFE003, lr  }
0x1b: {  	s9 =	sadd.s32 $0xFFFFFEF7, lr;
	s5 =	simm.s32 $0xFFFFFFFF;
	p2 =	slt.u32 s8, $0xFFFFF086  }
0x1c: {  	p1 =	slt.u32 s9, $0xF7A;
	s5 =	simm.s32 @!p2 $0x0  }
0x1d: {  	s5 =	simm.s32 @p1 $0x1;
	p0 =	seq.s32 s7, s2  }
0x1e: {  	s7 =	smul.u32 @!p0 $0xF7A, s2;
	p2 =	seq.s32 @!p0 s5, $0x0  }
0x1f: {  	s9 =	smul.u32 $0xF7A, s1;
	s8 =	simm.s32 @!p0 $0x1BF5;
	p2 =	por !p2, p0  }
0x20: {  	[sflag:s8] =	ssyncset.s32 @!p0 $0xFFFFF086;
	s6 =	sadd.s32 @!p0 s3, s7;
	s7 =	simm.s32 @!p0 $0x108  }
0x21: {  	s3 =	sadd.s32 s3, s9;
	s6 =	sadd.s32 @!p0 $0x88, s6;
	s7 =	simm.s32 @p2 $0x1082  }
0x22: {  	[simem:s7], [sflag:s8] =	dma.local @!p0 [hbm:s6], $0xF7A  }
0x23: {  	s9 =	sor.u32 $0xD0000000, s2;
	s6 =	simm.s32 $0x108;
	_ =	swait.ge @!p0 [sflag:s8], $0x0  }
0x24: {  	s3 =	sadd.s32 $0x88, s3;
	s6 =	simm.s32 @!p1 $0x1082;
	[sflag:s4] =	ssyncset.s32 $0xFFFFF086  }
0x25: {  	[simem:s6], [sflag:s4] =	dma.local [hbm:s3], $0xF7A  }
0x26: {  	[smem:$0x3F99] =	sst s1;
	(tag) =	ssettag s2;
	_ =	strace s9  }
0x27: {  	s1 =	sld [smem:$0x3FA9]  }
0x28: {  	s2 =	sld [smem:$0x3FAA]  }
0x29: {  	s4 =	sld [smem:$0x3FAC]  }
0x2a: {  	p0 =	seq.s32 s5, $0x0;
	s5 =	sld [smem:$0x3FAD]  }
0x2b: {  	s6 =	sld [smem:$0x3FAE]  }
0x2c: {  	s7 =	sld [smem:$0x3FAF]  }
0x2d: {  	s3 =	simm.s32 $0x108;
	s8 =	sld [smem:$0x3FB0]  }
0x2e: {  	s3 =	simm.s32 @!p0 $0x1082;
	s9 =	sld [smem:$0x3FB1]  }
0x2f: {  	lr =	sadd.s32 s0, s3;
	s0 =	sld [smem:$0x3FA8]  }
0x30: {  	s3 =	sld [smem:$0x3FAB]  }
0x31: {  	[smem:$0x3FB4] =	sst s10  }
0x32: {  	s10 =	sld [smem:$0x3FB2];
	_ =	sdelay $0x3  }
0x33: {  	p0 =	seq.s32 s10, $0x1;
	s10 =	sld [smem:$0x3FB4];
	_ =	sdelay $0x3  }
0x34: {  	[smem:$0x3FB4] =	sst s10  }
0x35: {  	s10 =	sld [smem:$0x3FB3];
	_ =	sdelay $0x3  }
0x36: {  	p1 =	seq.s32 s10, $0x1;
	s10 =	sld [smem:$0x3FB4];
	_ =	sdelay $0x3  }
0x37: {  	[smem:$0x3FB4] =	sst s10  }
0x38: {  	s10 =	sld [smem:$0x3FB5]  }
0x39: {  	_ = 	snop;
	(pc) =	sbr.ind lr, $3  }
0x3a: {  	_ = 	snop  }
0x3b: {  	_ = 	snop  }
0x3c: {  	p2 =	seq.s32 s10, $0x1;
	s10 =	sld [smem:$0x3FB4]  }
0x3d: {  	_ =	shalt  }
0x3e: {  	_ =	shalt  }
0x3f: {  	_ =	shalt  }
0x40: {  	_ =	shalt  }
0x41: {  	_ =	shalt  }
0x42: {  	_ =	shalt  }
0x43: {  	_ =	shalt  }
0x44: {  	_ =	shalt  }
0x45: {  	_ =	shalt  }
0x46: {  	_ =	shalt  }
0x47: {  	_ =	shalt  }
0x48: {  	_ =	shalt  }
0x49: {  	_ =	shalt  }
0x4a: {  	_ =	shalt  }
0x4b: {  	_ =	shalt  }
0x4c: {  	_ =	shalt  }
0x4d: {  	_ =	shalt  }
0x4e: {  	_ =	shalt  }
0x4f: {  	_ =	shalt  }
0x50: {  	_ =	shalt  }
0x51: {  	_ =	shalt  }
0x52: {  	_ =	shalt  }
0x53: {  	_ =	shalt  }
0x54: {  	_ =	shalt  }
0x55: {  	_ =	shalt  }
0x56: {  	_ =	shalt  }
0x57: {  	_ =	shalt  }
0x58: {  	_ =	shalt  }
0x59: {  	_ =	shalt  }
0x5a: {  	_ =	shalt  }
0x5b: {  	_ =	shalt  }
0x5c: {  	_ =	shalt  }
0x5d: {  	_ =	shalt  }
0x5e: {  	_ =	shalt  }
0x5f: {  	_ =	shalt  }
0x60: {  	_ =	shalt  }
0x61: {  	_ =	shalt  }
0x62: {  	_ =	shalt  }
0x63: {  	_ =	shalt  }
0x64: {  	_ =	shalt  }
0x65: {  	_ =	shalt  }
0x66: {  	_ =	shalt  }
0x67: {  	_ =	shalt  }
0x68: {  	_ =	shalt  }
0x69: {  	_ =	shalt  }
0x6a: {  	_ =	shalt  }
0x6b: {  	_ =	shalt  }
0x6c: {  	_ =	shalt  }
0x6d: {  	_ =	shalt  }
0x6e: {  	_ =	shalt  }
0x6f: {  	_ =	shalt  }
0x70: {  	_ =	shalt  }
0x71: {  	_ =	shalt  }
0x72: {  	_ =	shalt  }
0x73: {  	_ =	shalt  }
0x74: {  	_ =	shalt  }
0x75: {  	_ =	shalt  }
0x76: {  	_ =	shalt  }
0x77: {  	_ =	shalt  }
0x78: {  	_ =	shalt  }
0x79: {  	_ =	shalt  }
0x7a: {  	_ =	shalt  }
0x7b: {  	_ =	shalt  }
0x7c: {  	_ =	shalt  }
0x7d: {  	_ =	shalt  }
0x7e: {  	_ =	shalt  }
0x7f: {  	_ =	shalt  }
0x80: {  	_ =	shalt  }
0x81: {  	_ =	shalt  }
0x82: {  	_ =	shalt  }
0x83: {  	_ =	shalt  }
0x84: {  	_ =	shalt  }
0x85: {  	_ =	shalt  }
0x86: {  	_ =	shalt  }
0x87: {  	_ =	shalt  }
.Lfunc_end0:
.L_simem_size_0:
called_computation_lowered:
.L_overlay_start_0:
0x88: {  	s2 =	sld [smem:$0x3FD9]  }
0x89: {  	s3 =	sld [smem:$0x3FFE];
	_ =	sdelay $0x1  }
0x8a: {  	s1 =	srdreg.scid  }
0x8b: {  	s0 =	sand.u32 $0x1, s1  }
0x8c: {  	s17 =	sshll.u32 s0, $0xA;
	s2 =	sadd.s32 s3, s2  }
0x8d: {  	s2 =	sadd.s32 s2, s17  }
0x8e: {  	[smem:$0x3FC0] =	sst s2  }
0x8f: {  	_ = 	snop  }
0x90: {  	s2 =	sld [smem:$0x3FC8]  }
0x91: {  	s18 =	sld [smem:$0x3FD0];
	(tm) =	ssettm $0x1  }
0x92: {  	s4 =	sld [smem:$0x3FFB];
	_ =	sdelay $0x3  }
0x93: {  	_ =	strace s4  }
0x94: {  	s4 =	sld [smem:$0x3FFC];
	_ =	sdelay $0x3  }
0x95: {  	_ =	strace s4  }
0x96: {  	s4 =	sld [smem:$0x3FFD];
	_ =	sdelay $0x3  }
0x97: {  	_ =	strace s4  }
0x98: {  	_ =	strace $0x8FFFFFFF  }
0x99: {  	s19 =	sld [smem:$0x3FDB];
	_ =	sdelay $0x1  }
0x9a: {  	s5 =	simm.s32 $_scs_section_size  }
0x9b: {  	s6 =	simm.s32 $_size__tile_overlayer_lowered;
	s7 =	simm.s32 $_tile_overlayer_lowered  }
0x9c: {  	s22 =	simm.s32 $0x1BFF;
	s21 =	sshll.u32 s7, $0x1;
	s4 =	sadd.s32 s5, s19  }
0x9d: {  	s8 =	simm.s32 $0x0;
	s20 =	sshll.u32 s6, $0x1;
	s6 =	sadd.s32 s21, s4  }
0x9e: {  	[timem:s8], [sflag:s22] =	dma.local [hbm:s6], s20  }
0x9f: {  	_ =	swait.ge [sflag:s22], s20  }
0xa0: {  	s5 =	ssub.s32 $0x0, s20;
	[sflag:s22] =	ssyncset.done $0x0  }
0xa1: {  	[sflag:s22] =	ssyncadd.s32 s5;
	_ =	sdelay $0x1  }
0xa2: {  	s23 =	simm.s32 $0x1B8B  }
0xa3: {  	_ =	swait.ge [sflag:s23], $0x1  }
0xa4: {  	[sflag:s23] =	ssyncset.done $0x0  }
0xa5: {  	s25 =	simm.s32 $0x1B8E;
	s24 =	sld [smem:$0x3FFE];
	[sflag:s23] =	ssyncadd.s32 $0xFFFFFFFF  }
0xa6: {  	s26 =	simm.s32 $execute0_lowered;
	[smem:$0x3FD2] =	sst s25  }
0xa7: {  	s6 =	sshll.u32 s26, $0x1;
	_ =	strace $0x80000046;
	[dreg:$0x1] =	wrdreg $0xFFFFFFFF  }
0xa8: {  	s28 =	simm.s32 $_size_execute0_lowered;
	s4 =	sadd.s32 s4, s6;
	[dreg:$0x0] =	wrdreg $0x0  }
0xa9: {  	s6 =	sshll.u32 s28, $0x1;
	[dreg:$0x2] =	wrdreg s4  }
0xaa: {  	[dreg:$0x3] =	wrdreg s6  }
0xab: {  	[dreg:$0x4] =	wrdreg $0xC0  }
0xac: {  	_ =	task [dreg:s8], $0x5FFFF  }
0xad: {  	[dreg:$0x1] =	wrdreg $0xFFFFFFFF  }
0xae: {  	[dreg:$0x0] =	wrdreg $0x60  }
0xaf: {  	[dreg:$0x2] =	wrdreg s24  }
0xb0: {  	[dreg:$0x3] =	wrdreg s2  }
0xb1: {  	[dreg:$0x4] =	wrdreg s18  }
0xb2: {  	[dreg:$0x5] =	wrdreg $0x9  }
0xb3: {  	_ =	task.clear_ibuf [dreg:s8], $0x6FFFF;
	_ =	strace $0x90000046  }
0xb4: {  	s29 =	simm.s32 $0x9;
	_ =	strace $0x80000048  }
0xb5: {  	_ =	swait.ge [sflag:s29], $0x1  }
0xb6: {  	[sflag:s29] =	ssyncadd.s32 $0xFFFFFFFF  }
0xb7: {  	_ =	strace $0x90000048  }
0xb8: {  	_ =	sfence  }
0xb9: {  	s30 =	sld [smem:$0x0];
	_ =	sdelay $0x2  }
0xba: {  	s31 =	sshll.u32 s1, $0xD;
	s1 =	sshrl.u32 s1, $0x2  }
0xbb: {  	s3 =	sand.u32 $0x4000, s31;
	s1 =	sadd.s32 s1, s30  }
0xbc: {  	s0 =	sor.u32 s3, s0;
	s1 =	sshll.u32 s1, $0x11  }
0xbd: {  	s0 =	sor.u32 s1, s0  }
0xbe: {  	s0 =	sadd.s32 $0x8F2B, s0  }
0xbf: {  	[sflag:s0] =	ssyncadd.remote.s32 $0x1  }
0xc0: {  	_ =	sfence.sel $0xFFFF  }
0xc1: {  	[dreg:$0x0] =	wrdreg $0xFFFFFFFF;
	(pc) =	sbr.abs _section_cstart, $3  }
0xc2: {  	[dreg:$0x1] =	wrdreg $0xFFFFFFFF  }
0xc3: {  	_ =	task.clear_ibuf [dreg:s8], $0x2FFFF;
	_ =	strace $0x9FFFFFFF  }
0xc4: {  	(tm) =	ssettm $0x7FFFFFFF  }
0xc5: {  	_ =	shalt  }
tec
execute0_lowered:
.L_overlay_start_1:
0x0: {  	(tag) =	ssettag $0x1  }
0x1: {  	v0 =	vlaneseq.u32  }
0x2: {  	v1 =	vimm.f32 $0.0e+00;
	v2 =	vor.u32 $0x80, v0;
	v3 =	vor.u32 $0x100, v0  }
0x3: {  	v4 =	vor.u32 $0x180, v0;
	v5 =	vor.u32 $0x200, v0;
	v6 =	vor.u32 $0x280, v0  }
0x4: {  	v7 =	vor.u32 $0x300, v0;
	v8 =	vor.u32 $0x380, v0;
	v9 =	vor.u32 $0x1000, v0  }
0x5: {  	s4 =	rddreg [dreg:$0x0];
	v10 =	vor.u32 $0x1080, v0;
	v11 =	vor.u32 $0x1100, v0;
	v12 =	vor.u32 $0x1180, v0  }
0x6: {  	s0 =	rddreg [dreg:$0x1];
	v13 =	vor.u32 $0x1200, v0;
	v14 =	vor.u32 $0x1280, v0;
	v15 =	vor.u32 $0x1300, v0  }
0x7: {  	s6 =	rddreg [dreg:$0x2];
	v16 =	vor.u32 $0x1380, v0;
	v17 =	vor.u32 $0x2000, v0;
	v18 =	vor.u32 $0x2080, v0  }
0x8: {  	s1 =	rddreg [dreg:$0x3];
	v19 =	vor.u32 $0x2100, v0;
	v20 =	vor.u32 $0x2180, v0;
	v21 =	vor.u32 $0x2200, v0  }
0x9: {  	s5 =	srdreg.scid;
	s2 =	stileid.u32;
	v22 =	vor.u32 $0x2280, v0;
	v23 =	vor.u32 $0x2300, v0;
	v24 =	vor.u32 $0x2380, v0  }
0xa: {  	s3 =	simm.s32 $0x0;
	s10 =	simm.s32 $0x1400;
	s11 =	simm.s32 $0x271000;
	v25 =	vor.u32 $0x3000, v0;
	v26 =	vor.u32 $0x3080, v0;
	v27 =	vor.u32 $0x3100, v0  }
0xb: {  	s12 =	simm.s32 $0x7800;
	s13 =	simm.s32 $0x7A80;
	s14 =	simm.s32 $0x0;
	v28 =	vor.u32 $0x3180, v0;
	v29 =	vor.u32 $0x3200, v0;
	v30 =	vor.u32 $0x3280, v0  }
0xc: {  	s5 =	sand.u32 $0x1, s5;
	s7 =	sshll.u32 s2, $0x1;
	[smem:$0x7FF] =	sst s3;
	v31 =	vor.u32 $0x3300, v0;
	v32 =	vor.u32 $0x3380, v0;
	v33 =	vor.u32 $0x4000, v0  }
.Ltmp0:
0xd: {  	v34 =	vor.u32 $0x4080, v0;
	v35 =	vor.u32 $0x4100, v0;
	v48 =	vor.u32 $0x5380, v0;
	s7 =	sor.u32 s5, s7;
	_ =	strace $0x80000047;
	(pc) =	sbr.rel .LBB2_1-.Ltmp0, $4  }
0xe: {  	v36 =	vor.u32 $0x4180, v0;
	v37 =	vor.u32 $0x4200, v0;
	v38 =	vor.u32 $0x4280, v0;
	s5 =	ssub.s32 $0x2, s5;
	s8 =	sshll.u32 s7, $0x4;
	s7 =	smul.u32 $0xC00, s7  }
0xf: {  	v39 =	vor.u32 $0x4300, v0;
	v40 =	vor.u32 $0x4380, v0;
	v41 =	vor.u32 $0x5000, v0;
	s9 =	sshrl.u32 s5, $0x1;
	s8 =	sadd.s32 s8, s4;
	s4 =	sadd.s32 $0xA00, s4  }
0x10: {  	v42 =	vor.u32 $0x5080, v0;
	v43 =	vor.u32 $0x5100, v0;
	v44 =	vor.u32 $0x5180, v0;
	s9 =	ssub.s32 s5, s9;
	s5 =	sadd.s32 $0x800, s8;
	s6 =	sadd.s32 s6, s7  }
0x11: {  	v45 =	vor.u32 $0x5200, v0;
	v46 =	vor.u32 $0x5280, v0;
	v47 =	vor.u32 $0x5300, v0;
	s7 =	smax.u32 s9, $0x1;
	s8 =	simm.s32 $0xDA80;
	s9 =	simm.s32 $0x1  }
.LBB2_9:
0x12: {  	s14 =	sadd.s32 $0x1, s14  }
0x13: {  	p0 =	sne.s32 s14, s7  }
.Ltmp1:
0x14: {  	_ = 	snop;
	(pc) =	sbr.rel @!p0 .LBB2_10-.Ltmp1, $4  }
0x15: {  	[hbm4b:s6+s3] =	stream.linear.scatter [tilespmem:s13], [sflag:$0x1], $0x6000, $0x38;
	[tilespmem:$0xDB00] =	vst v63  }
0x16: {  	_ =	swait.ge [sflag:s9], $0x6000  }
0x17: {  	[sflag:s9] =	ssyncset.done $0x0  }
0x18: {  	[sflag:s9] =	ssyncadd.s32 $0xFFFFA000  }
.LBB2_1:
0x19: {  	s15 =	simm.s32 $0x0  }
.LBB2_2:
0x1a: {  	s16 =	sshll.u32 s15, $0x9;
	s17 =	sshll.u32 s15, $0x7  }
0x1b: {  	s16 =	sand.u32 $0x7000, s16;
	s17 =	sand.u32 $0x380, s17  }
0x1c: {  	s17 =	sor.u32 s17, s16;
	s16 =	simm.s32 $0x0  }
0x1d: {  	s17 =	sadd.s32 $0x7A80, s17;
	s18 =	sand.u32 $0xC00, s16  }
0x1e: {  	s19 =	sand.u32 $0x70, s16;
	s20 =	sadd.s32 s18, s17  }
0x1f: {  	s18 =	simm.s32 $0x10;
	s19 =	sadd.s32 s19, s20  }
.LBB2_3:
0x20: {  	p0 =	sne.s32 s18, $0x140  }
0x21: {  	[tilespmem:s19+$0x0] =	vst v1;
	s16 =	sadd.s32 $0x80, s16;
	s19 =	smov.u32 s18;
	s18 =	sadd.s32 $0x10, s18  }
.Ltmp2:
0x22: {  	(pc) =	sbr.rel @p0 .LBB2_3-.Ltmp2, $4  }
0x23: {  	_ = 	snop  }
0x24: {  	s20 =	sand.u32 $0xC00, s16  }
0x25: {  	s19 =	sand.u32 $0x70, s19;
	s20 =	sadd.s32 s20, s17  }
0x26: {  	s19 =	sadd.s32 s19, s20  }
0x27: {  	s15 =	sadd.s32 $0x1, s15  }
0x28: {  	p0 =	sne.s32 s15, $0x30  }
.Ltmp3:
0x29: {  	_ = 	snop;
	(pc) =	sbr.rel @p0 .LBB2_2-.Ltmp3, $2  }
0x2a: {  	_ =	sdelay $0x2  }
0x2b: {  	[tilespmem:s19+$0x0] =	vst v1  }
0x2c: {  	s15 =	simm.s32 $0x0  }
0x2d: {  	[tilespmem:s8], [sflag:$0x1] =	stream.linear.gather [hbm4b:s5+s15], $0x80, $0x38;
	[tilespmem:$0xDB00] =	vst v63  }
0x2e: {  	_ =	swait.ge [sflag:s9], $0x80  }
0x2f: {  	[sflag:s9] =	ssyncset.done $0x0  }
0x30: {  	[sflag:s9] =	ssyncadd.s32 $0xFFFFFF80  }
0x31: {  	v49 =	vld [tilespmem:$0xDA80];
	_ =	sdelay $0x4  }
0x32: {  	(v2sf) =	vpush v49, $0x0  }
0x33: {  	(v2sf) =	vpush v49, $0x1;
	_ =	sdelay $0xd  }
0x34: {  	s16 =	spop (v2sf)  }
0x35: {  	s17 =	spop (v2sf);
	s18 =	smulhi.u32 $0x66666667, s16;
	s19 =	sshra.s32 s16, $0x1F  }
0x36: {  	s19 =	smul.u32 $0x66666667, s19;
	s20 =	sadd.s32 $0x27F, s17  }
0x37: {  	s21 =	smulhi.u32 $0x66666667, s20;
	s22 =	sshra.s32 s20, $0x1F  }
0x38: {  	s22 =	smul.u32 $0x66666667, s22  }
0x39: {  	s18 =	sadd.s32 s19, s18  }
0x3a: {  	s19 =	sshrl.u32 s18, $0x1F;
	s18 =	sshra.s32 s18, $0x8;
	s21 =	sadd.s32 s22, s21  }
0x3b: {  	s18 =	sadd.s32 s19, s18;
	s28 =	sshrl.u32 s21, $0x1F;
	s21 =	sshra.s32 s21, $0x8  }
0x3c: {  	s29 =	smul.u32 $0xFFFFFD80, s18;
	s19 =	sadd.s32 s28, s21  }
0x3d: {  	s23 =	smul.u32 $0xFFFFFD80, s19  }
0x3e: {  	s30 =	ssub.s32 $0x0, s16;
	p1 =	slt.s32 s16, $0x1;
	s31 =	ssub.s32 $0xFFFFFD81, s17  }
0x3f: {  	p6 =	slt.s32 s20, $0x1;
	p0 =	sne.s32 s29, s30;
	p2 =	sne.s32 s23, s31  }
0x40: {  	s16 =	simm.s32 $0x1;
	p0 =	por !p1, !p0;
	p1 =	por !p6, !p2  }
0x41: {  	s17 =	simm.s32 $0x1;
	p0 =	por !p0, !p0;
	p1 =	por !p1, !p1  }
0x42: {  	s16 =	simm.s32 @!p0 $0x0;
	s17 =	simm.s32 @!p1 $0x0  }
0x43: {  	s16 =	ssub.s32 s18, s16;
	s17 =	ssub.s32 s19, s17  }
0x44: {  	s17 =	ssub.s32 s17, s16  }
0x45: {  	p0 =	slt.s32 s17, $0x1  }
.Ltmp4:
0x46: {  	_ = 	snop;
	(pc) =	sbr.rel @p0 .LBB2_9-.Ltmp4, $2  }
0x47: {  	_ =	sdelay $0x2  }
0x48: {  	s18 =	simm.s32 $0x0  }
.LBB2_6:
0x49: {  	s19 =	sadd.s32 s16, s18  }
0x4a: {  	s20 =	smul.u32 $0x1400, s19;
	_ =	sdelay $0x1  }
0x4b: {  	s20 =	sshrl.u32 s20, $0x3  }
0x4c: {  	s19 =	smul.u32 $0x280, s19;
	s20 =	sadd.s32 s4, s20  }
0x4d: {  	[tilespmem:s15], [sflag:$0x1] =	stream.strided.gather [hbm4b:s20+s10], $0x7800, s11, s10, $0x38;
	[tilespmem:$0xDB00] =	vst v63  }
0x4e: {  	_ =	swait.ge [sflag:s9], $0x7800  }
0x4f: {  	s19 =	sshrl.u32 s19, $0x3;
	[sflag:s9] =	ssyncset.done $0x0  }
0x50: {  	s19 =	sadd.s32 s0, s19;
	[sflag:s9] =	ssyncadd.s32 $0xFFFF8800  }
0x51: {  	[tilespmem:s12], [sflag:$0x1] =	stream.linear.gather [hbm4b:s19+s15], $0x280, $0x38;
	[tilespmem:$0xDB00] =	vst v63  }
0x52: {  	_ =	swait.ge [sflag:s9], $0x280  }
0x53: {  	s29 =	sand.u32 $0x70, s15;
	s30 =	sand.u32 $0x1C00, s15;
	[sflag:s9] =	ssyncset.done $0x0  }
0x54: {  	s21 =	sor.u32 s29, s30;
	[sflag:s9] =	ssyncadd.s32 $0xFFFFFD80  }
0x55: {  	v49 =	vld [tilespmem:s21+$0x0];
	_ =	sdelay $0x4  }
0x56: {  	[tilespmem:v0+s13+$0x0] =	vst.idx.add.f32.msk $0xffff, v49  }
0x57: {  	v49 =	vld [tilespmem:s21+$0x80];
	_ =	sdelay $0x4  }
0x58: {  	[tilespmem:v2+s13+$0x0] =	vst.idx.add.f32.msk $0xffff, v49  }
0x59: {  	v49 =	vld [tilespmem:s21+$0x100];
	_ =	sdelay $0x4  }
0x5a: {  	[tilespmem:v3+s13+$0x0] =	vst.idx.add.f32.msk $0xffff, v49  }
0x5b: {  	v49 =	vld [tilespmem:s21+$0x180];
	_ =	sdelay $0x4  }
0x5c: {  	[tilespmem:v4+s13+$0x0] =	vst.idx.add.f32.msk $0xffff, v49  }
0x5d: {  	v49 =	vld [tilespmem:s21+$0x200];
	_ =	sdelay $0x4  }
0x5e: {  	[tilespmem:v5+s13+$0x0] =	vst.idx.add.f32.msk $0xffff, v49  }
0x5f: {  	v49 =	vld [tilespmem:s21+$0x280];
	_ =	sdelay $0x4  }
0x60: {  	[tilespmem:v6+s13+$0x0] =	vst.idx.add.f32.msk $0xffff, v49  }
0x61: {  	v49 =	vld [tilespmem:s21+$0x300];
	_ =	sdelay $0x3  }
0x62: {  	s31 =	sor.u32 s15, s15  }
0x63: {  	s19 =	sor.u32 $0x380, s31;
	[tilespmem:v7+s13+$0x0] =	vst.idx.add.f32.msk $0xffff, v49  }
0x64: {  	v49 =	vld [tilespmem:s19+$0x0];
	_ =	sdelay $0x4  }
0x65: {  	[tilespmem:v8+s13+$0x0] =	vst.idx.add.f32.msk $0xffff, v49  }
0x66: {  	v49 =	vld [tilespmem:s21+$0x1400];
	_ =	sdelay $0x4  }
0x67: {  	[tilespmem:v9+s13+$0x0] =	vst.idx.add.f32.msk $0xffff, v49  }
0x68: {  	v49 =	vld [tilespmem:s21+$0x1480];
	_ =	sdelay $0x4  }
0x69: {  	[tilespmem:v10+s13+$0x0] =	vst.idx.add.f32.msk $0xffff, v49  }
0x6a: {  	v49 =	vld [tilespmem:s21+$0x1500];
	_ =	sdelay $0x4  }
0x6b: {  	[tilespmem:v11+s13+$0x0] =	vst.idx.add.f32.msk $0xffff, v49  }
0x6c: {  	v49 =	vld [tilespmem:s21+$0x1580];
	_ =	sdelay $0x4  }
0x6d: {  	[tilespmem:v12+s13+$0x0] =	vst.idx.add.f32.msk $0xffff, v49  }
0x6e: {  	v49 =	vld [tilespmem:s21+$0x1600];
	_ =	sdelay $0x4  }
0x6f: {  	[tilespmem:v13+s13+$0x0] =	vst.idx.add.f32.msk $0xffff, v49  }
0x70: {  	v49 =	vld [tilespmem:s21+$0x1680];
	_ =	sdelay $0x4  }
0x71: {  	[tilespmem:v14+s13+$0x0] =	vst.idx.add.f32.msk $0xffff, v49  }
0x72: {  	v49 =	vld [tilespmem:s21+$0x1700];
	_ =	sdelay $0x4  }
0x73: {  	[tilespmem:v15+s13+$0x0] =	vst.idx.add.f32.msk $0xffff, v49  }
0x74: {  	v49 =	vld [tilespmem:s21+$0x1780];
	_ =	sdelay $0x4  }
0x75: {  	[tilespmem:v16+s13+$0x0] =	vst.idx.add.f32.msk $0xffff, v49  }
0x76: {  	v49 =	vld [tilespmem:s21+$0x2800];
	_ =	sdelay $0x4  }
0x77: {  	[tilespmem:v17+s13+$0x0] =	vst.idx.add.f32.msk $0xffff, v49  }
0x78: {  	v49 =	vld [tilespmem:s21+$0x2880];
	_ =	sdelay $0x4  }
0x79: {  	[tilespmem:v18+s13+$0x0] =	vst.idx.add.f32.msk $0xffff, v49  }
0x7a: {  	v49 =	vld [tilespmem:s21+$0x2900];
	_ =	sdelay $0x4  }
0x7b: {  	[tilespmem:v19+s13+$0x0] =	vst.idx.add.f32.msk $0xffff, v49  }
0x7c: {  	v49 =	vld [tilespmem:s21+$0x2980];
	_ =	sdelay $0x4  }
0x7d: {  	[tilespmem:v20+s13+$0x0] =	vst.idx.add.f32.msk $0xffff, v49  }
0x7e: {  	v49 =	vld [tilespmem:s21+$0x2A00];
	_ =	sdelay $0x4  }
0x7f: {  	[tilespmem:v21+s13+$0x0] =	vst.idx.add.f32.msk $0xffff, v49  }
0x80: {  	v49 =	vld [tilespmem:s21+$0x2A80];
	_ =	sdelay $0x4  }
0x81: {  	[tilespmem:v22+s13+$0x0] =	vst.idx.add.f32.msk $0xffff, v49  }
0x82: {  	v49 =	vld [tilespmem:s21+$0x2B00];
	_ =	sdelay $0x4  }
0x83: {  	[tilespmem:v23+s13+$0x0] =	vst.idx.add.f32.msk $0xffff, v49  }
0x84: {  	v49 =	vld [tilespmem:s21+$0x2B80];
	_ =	sdelay $0x4  }
0x85: {  	[tilespmem:v24+s13+$0x0] =	vst.idx.add.f32.msk $0xffff, v49  }
0x86: {  	v49 =	vld [tilespmem:s21+$0x3C00];
	_ =	sdelay $0x4  }
0x87: {  	[tilespmem:v25+s13+$0x0] =	vst.idx.add.f32.msk $0xffff, v49  }
0x88: {  	v49 =	vld [tilespmem:s21+$0x3C80];
	_ =	sdelay $0x4  }
0x89: {  	[tilespmem:v26+s13+$0x0] =	vst.idx.add.f32.msk $0xffff, v49  }
0x8a: {  	v49 =	vld [tilespmem:s21+$0x3D00];
	_ =	sdelay $0x4  }
0x8b: {  	[tilespmem:v27+s13+$0x0] =	vst.idx.add.f32.msk $0xffff, v49  }
0x8c: {  	v49 =	vld [tilespmem:s21+$0x3D80];
	_ =	sdelay $0x4  }
0x8d: {  	[tilespmem:v28+s13+$0x0] =	vst.idx.add.f32.msk $0xffff, v49  }
0x8e: {  	v49 =	vld [tilespmem:s21+$0x3E00];
	_ =	sdelay $0x4  }
0x8f: {  	[tilespmem:v29+s13+$0x0] =	vst.idx.add.f32.msk $0xffff, v49  }
0x90: {  	v49 =	vld [tilespmem:s21+$0x3E80];
	_ =	sdelay $0x4  }
0x91: {  	[tilespmem:v30+s13+$0x0] =	vst.idx.add.f32.msk $0xffff, v49  }
0x92: {  	v49 =	vld [tilespmem:s21+$0x3F00];
	_ =	sdelay $0x4  }
0x93: {  	[tilespmem:v31+s13+$0x0] =	vst.idx.add.f32.msk $0xffff, v49  }
0x94: {  	v49 =	vld [tilespmem:s21+$0x3F80];
	_ =	sdelay $0x4  }
0x95: {  	[tilespmem:v32+s13+$0x0] =	vst.idx.add.f32.msk $0xffff, v49  }
0x96: {  	v49 =	vld [tilespmem:s21+$0x5000];
	_ =	sdelay $0x4  }
0x97: {  	[tilespmem:v33+s13+$0x0] =	vst.idx.add.f32.msk $0xffff, v49  }
0x98: {  	v49 =	vld [tilespmem:s21+$0x5080];
	_ =	sdelay $0x4  }
0x99: {  	[tilespmem:v34+s13+$0x0] =	vst.idx.add.f32.msk $0xffff, v49  }
0x9a: {  	v49 =	vld [tilespmem:s21+$0x5100];
	_ =	sdelay $0x4  }
0x9b: {  	[tilespmem:v35+s13+$0x0] =	vst.idx.add.f32.msk $0xffff, v49  }
0x9c: {  	v49 =	vld [tilespmem:s21+$0x5180];
	_ =	sdelay $0x4  }
0x9d: {  	[tilespmem:v36+s13+$0x0] =	vst.idx.add.f32.msk $0xffff, v49  }
0x9e: {  	v49 =	vld [tilespmem:s21+$0x5200];
	_ =	sdelay $0x4  }
0x9f: {  	[tilespmem:v37+s13+$0x0] =	vst.idx.add.f32.msk $0xffff, v49  }
0xa0: {  	v49 =	vld [tilespmem:s21+$0x5280];
	_ =	sdelay $0x4  }
0xa1: {  	[tilespmem:v38+s13+$0x0] =	vst.idx.add.f32.msk $0xffff, v49  }
0xa2: {  	v49 =	vld [tilespmem:s21+$0x5300];
	_ =	sdelay $0x4  }
0xa3: {  	[tilespmem:v39+s13+$0x0] =	vst.idx.add.f32.msk $0xffff, v49  }
0xa4: {  	v49 =	vld [tilespmem:s21+$0x5380];
	_ =	sdelay $0x4  }
0xa5: {  	[tilespmem:v40+s13+$0x0] =	vst.idx.add.f32.msk $0xffff, v49  }
0xa6: {  	v49 =	vld [tilespmem:s21+$0x6400];
	_ =	sdelay $0x4  }
0xa7: {  	[tilespmem:v41+s13+$0x0] =	vst.idx.add.f32.msk $0xffff, v49  }
0xa8: {  	v49 =	vld [tilespmem:s21+$0x6480];
	_ =	sdelay $0x4  }
0xa9: {  	[tilespmem:v42+s13+$0x0] =	vst.idx.add.f32.msk $0xffff, v49  }
0xaa: {  	v49 =	vld [tilespmem:s21+$0x6500];
	_ =	sdelay $0x4  }
0xab: {  	[tilespmem:v43+s13+$0x0] =	vst.idx.add.f32.msk $0xffff, v49  }
0xac: {  	v49 =	vld [tilespmem:s21+$0x6580];
	_ =	sdelay $0x4  }
0xad: {  	[tilespmem:v44+s13+$0x0] =	vst.idx.add.f32.msk $0xffff, v49  }
0xae: {  	v49 =	vld [tilespmem:s21+$0x6600];
	_ =	sdelay $0x4  }
0xaf: {  	[tilespmem:v45+s13+$0x0] =	vst.idx.add.f32.msk $0xffff, v49  }
0xb0: {  	v49 =	vld [tilespmem:s21+$0x6680];
	_ =	sdelay $0x4  }
0xb1: {  	[tilespmem:v46+s13+$0x0] =	vst.idx.add.f32.msk $0xffff, v49  }
0xb2: {  	v49 =	vld [tilespmem:s21+$0x6700];
	_ =	sdelay $0x4  }
0xb3: {  	[tilespmem:v47+s13+$0x0] =	vst.idx.add.f32.msk $0xffff, v49  }
0xb4: {  	v49 =	vld [tilespmem:s21+$0x6780];
	_ =	sdelay $0x2  }
0xb5: {  	s20 =	simm.s32 $0x80;
	s19 =	simm.s32 $0x10  }
0xb6: {  	s23 =	sand.u32 $0x1C00, s20;
	s22 =	sand.u32 $0x70, s19;
	s21 =	simm.s32 $0x20  }
.LBB2_7:
0xb7: {  	p0 =	sne.s32 s21, $0x270;
	s22 =	sor.u32 s22, s23;
	[tilespmem:v48+s13+$0x0] =	vst.idx.add.f32.msk $0xffff, v49  }
0xb8: {  	v49 =	vld [tilespmem:s22+$0x0];
	_ =	sdelay $0x4  }
0xb9: {  	[tilespmem:v0+s13+$0x0] =	vst.idx.add.f32.msk $0xffff, v49  }
0xba: {  	v49 =	vld [tilespmem:s22+$0x80];
	_ =	sdelay $0x4  }
0xbb: {  	[tilespmem:v2+s13+$0x0] =	vst.idx.add.f32.msk $0xffff, v49  }
0xbc: {  	v49 =	vld [tilespmem:s22+$0x100];
	_ =	sdelay $0x4  }
0xbd: {  	[tilespmem:v3+s13+$0x0] =	vst.idx.add.f32.msk $0xffff, v49  }
0xbe: {  	v49 =	vld [tilespmem:s22+$0x180];
	_ =	sdelay $0x4  }
0xbf: {  	[tilespmem:v4+s13+$0x0] =	vst.idx.add.f32.msk $0xffff, v49  }
0xc0: {  	v49 =	vld [tilespmem:s22+$0x200];
	_ =	sdelay $0x4  }
0xc1: {  	[tilespmem:v5+s13+$0x0] =	vst.idx.add.f32.msk $0xffff, v49  }
0xc2: {  	v49 =	vld [tilespmem:s22+$0x280];
	_ =	sdelay $0x4  }
0xc3: {  	[tilespmem:v6+s13+$0x0] =	vst.idx.add.f32.msk $0xffff, v49  }
0xc4: {  	v49 =	vld [tilespmem:s22+$0x300];
	_ =	sdelay $0x3  }
0xc5: {  	s23 =	sor.u32 s20, s19;
	s19 =	smov.u32 s21  }
0xc6: {  	s23 =	sor.u32 $0x380, s23;
	[tilespmem:v7+s13+$0x0] =	vst.idx.add.f32.msk $0xffff, v49  }
0xc7: {  	v49 =	vld [tilespmem:s23+$0x0];
	_ =	sdelay $0x4  }
0xc8: {  	[tilespmem:v8+s13+$0x0] =	vst.idx.add.f32.msk $0xffff, v49  }
0xc9: {  	v49 =	vld [tilespmem:s22+$0x1400];
	_ =	sdelay $0x4  }
0xca: {  	[tilespmem:v9+s13+$0x0] =	vst.idx.add.f32.msk $0xffff, v49  }
0xcb: {  	v49 =	vld [tilespmem:s22+$0x1480];
	_ =	sdelay $0x4  }
0xcc: {  	[tilespmem:v10+s13+$0x0] =	vst.idx.add.f32.msk $0xffff, v49  }
0xcd: {  	v49 =	vld [tilespmem:s22+$0x1500];
	_ =	sdelay $0x4  }
0xce: {  	[tilespmem:v11+s13+$0x0] =	vst.idx.add.f32.msk $0xffff, v49  }
0xcf: {  	v49 =	vld [tilespmem:s22+$0x1580];
	_ =	sdelay $0x4  }
0xd0: {  	[tilespmem:v12+s13+$0x0] =	vst.idx.add.f32.msk $0xffff, v49  }
0xd1: {  	v49 =	vld [tilespmem:s22+$0x1600];
	_ =	sdelay $0x4  }
0xd2: {  	[tilespmem:v13+s13+$0x0] =	vst.idx.add.f32.msk $0xffff, v49  }
0xd3: {  	v49 =	vld [tilespmem:s22+$0x1680];
	_ =	sdelay $0x4  }
0xd4: {  	[tilespmem:v14+s13+$0x0] =	vst.idx.add.f32.msk $0xffff, v49  }
0xd5: {  	v49 =	vld [tilespmem:s22+$0x1700];
	_ =	sdelay $0x4  }
0xd6: {  	[tilespmem:v15+s13+$0x0] =	vst.idx.add.f32.msk $0xffff, v49  }
0xd7: {  	v49 =	vld [tilespmem:s22+$0x1780];
	_ =	sdelay $0x4  }
0xd8: {  	[tilespmem:v16+s13+$0x0] =	vst.idx.add.f32.msk $0xffff, v49  }
0xd9: {  	v49 =	vld [tilespmem:s22+$0x2800];
	_ =	sdelay $0x4  }
0xda: {  	[tilespmem:v17+s13+$0x0] =	vst.idx.add.f32.msk $0xffff, v49  }
0xdb: {  	v49 =	vld [tilespmem:s22+$0x2880];
	_ =	sdelay $0x4  }
0xdc: {  	[tilespmem:v18+s13+$0x0] =	vst.idx.add.f32.msk $0xffff, v49  }
0xdd: {  	v49 =	vld [tilespmem:s22+$0x2900];
	_ =	sdelay $0x4  }
0xde: {  	[tilespmem:v19+s13+$0x0] =	vst.idx.add.f32.msk $0xffff, v49  }
0xdf: {  	v49 =	vld [tilespmem:s22+$0x2980];
	_ =	sdelay $0x4  }
0xe0: {  	[tilespmem:v20+s13+$0x0] =	vst.idx.add.f32.msk $0xffff, v49  }
0xe1: {  	v49 =	vld [tilespmem:s22+$0x2A00];
	_ =	sdelay $0x4  }
0xe2: {  	[tilespmem:v21+s13+$0x0] =	vst.idx.add.f32.msk $0xffff, v49  }
0xe3: {  	v49 =	vld [tilespmem:s22+$0x2A80];
	_ =	sdelay $0x4  }
0xe4: {  	[tilespmem:v22+s13+$0x0] =	vst.idx.add.f32.msk $0xffff, v49  }
0xe5: {  	v49 =	vld [tilespmem:s22+$0x2B00];
	_ =	sdelay $0x4  }
0xe6: {  	[tilespmem:v23+s13+$0x0] =	vst.idx.add.f32.msk $0xffff, v49  }
0xe7: {  	v49 =	vld [tilespmem:s22+$0x2B80];
	_ =	sdelay $0x4  }
0xe8: {  	[tilespmem:v24+s13+$0x0] =	vst.idx.add.f32.msk $0xffff, v49  }
0xe9: {  	v49 =	vld [tilespmem:s22+$0x3C00];
	_ =	sdelay $0x4  }
0xea: {  	[tilespmem:v25+s13+$0x0] =	vst.idx.add.f32.msk $0xffff, v49  }
0xeb: {  	v49 =	vld [tilespmem:s22+$0x3C80];
	_ =	sdelay $0x4  }
0xec: {  	[tilespmem:v26+s13+$0x0] =	vst.idx.add.f32.msk $0xffff, v49  }
0xed: {  	v49 =	vld [tilespmem:s22+$0x3D00];
	_ =	sdelay $0x4  }
0xee: {  	[tilespmem:v27+s13+$0x0] =	vst.idx.add.f32.msk $0xffff, v49  }
0xef: {  	v49 =	vld [tilespmem:s22+$0x3D80];
	_ =	sdelay $0x4  }
0xf0: {  	[tilespmem:v28+s13+$0x0] =	vst.idx.add.f32.msk $0xffff, v49  }
0xf1: {  	v49 =	vld [tilespmem:s22+$0x3E00];
	_ =	sdelay $0x4  }
0xf2: {  	[tilespmem:v29+s13+$0x0] =	vst.idx.add.f32.msk $0xffff, v49  }
0xf3: {  	v49 =	vld [tilespmem:s22+$0x3E80];
	_ =	sdelay $0x4  }
0xf4: {  	[tilespmem:v30+s13+$0x0] =	vst.idx.add.f32.msk $0xffff, v49  }
0xf5: {  	v49 =	vld [tilespmem:s22+$0x3F00];
	_ =	sdelay $0x4  }
0xf6: {  	[tilespmem:v31+s13+$0x0] =	vst.idx.add.f32.msk $0xffff, v49  }
0xf7: {  	v49 =	vld [tilespmem:s22+$0x3F80];
	_ =	sdelay $0x4  }
0xf8: {  	[tilespmem:v32+s13+$0x0] =	vst.idx.add.f32.msk $0xffff, v49  }
0xf9: {  	v49 =	vld [tilespmem:s22+$0x5000];
	_ =	sdelay $0x4  }
0xfa: {  	[tilespmem:v33+s13+$0x0] =	vst.idx.add.f32.msk $0xffff, v49  }
0xfb: {  	v49 =	vld [tilespmem:s22+$0x5080];
	_ =	sdelay $0x4  }
0xfc: {  	[tilespmem:v34+s13+$0x0] =	vst.idx.add.f32.msk $0xffff, v49  }
0xfd: {  	v49 =	vld [tilespmem:s22+$0x5100];
	_ =	sdelay $0x4  }
0xfe: {  	[tilespmem:v35+s13+$0x0] =	vst.idx.add.f32.msk $0xffff, v49  }
0xff: {  	v49 =	vld [tilespmem:s22+$0x5180];
	_ =	sdelay $0x4  }
0x100: {  	[tilespmem:v36+s13+$0x0] =	vst.idx.add.f32.msk $0xffff, v49  }
0x101: {  	v49 =	vld [tilespmem:s22+$0x5200];
	_ =	sdelay $0x4  }
0x102: {  	[tilespmem:v37+s13+$0x0] =	vst.idx.add.f32.msk $0xffff, v49  }
0x103: {  	v49 =	vld [tilespmem:s22+$0x5280];
	_ =	sdelay $0x4  }
0x104: {  	[tilespmem:v38+s13+$0x0] =	vst.idx.add.f32.msk $0xffff, v49  }
0x105: {  	v49 =	vld [tilespmem:s22+$0x5300];
	_ =	sdelay $0x4  }
0x106: {  	[tilespmem:v39+s13+$0x0] =	vst.idx.add.f32.msk $0xffff, v49  }
0x107: {  	v49 =	vld [tilespmem:s22+$0x5380];
	_ =	sdelay $0x4  }
0x108: {  	[tilespmem:v40+s13+$0x0] =	vst.idx.add.f32.msk $0xffff, v49  }
0x109: {  	v49 =	vld [tilespmem:s22+$0x6400];
	_ =	sdelay $0x4  }
0x10a: {  	[tilespmem:v41+s13+$0x0] =	vst.idx.add.f32.msk $0xffff, v49  }
0x10b: {  	v49 =	vld [tilespmem:s22+$0x6480];
	_ =	sdelay $0x4  }
0x10c: {  	[tilespmem:v42+s13+$0x0] =	vst.idx.add.f32.msk $0xffff, v49  }
0x10d: {  	v49 =	vld [tilespmem:s22+$0x6500];
	_ =	sdelay $0x4  }
0x10e: {  	[tilespmem:v43+s13+$0x0] =	vst.idx.add.f32.msk $0xffff, v49  }
0x10f: {  	v49 =	vld [tilespmem:s22+$0x6580];
	_ =	sdelay $0x4  }
0x110: {  	[tilespmem:v44+s13+$0x0] =	vst.idx.add.f32.msk $0xffff, v49  }
0x111: {  	v49 =	vld [tilespmem:s22+$0x6600];
	_ =	sdelay $0x4  }
0x112: {  	[tilespmem:v45+s13+$0x0] =	vst.idx.add.f32.msk $0xffff, v49  }
0x113: {  	v49 =	vld [tilespmem:s22+$0x6680];
	_ =	sdelay $0x4  }
0x114: {  	[tilespmem:v46+s13+$0x0] =	vst.idx.add.f32.msk $0xffff, v49  }
0x115: {  	v49 =	vld [tilespmem:s22+$0x6700];
	_ =	sdelay $0x4  }
0x116: {  	[tilespmem:v47+s13+$0x0] =	vst.idx.add.f32.msk $0xffff, v49  }
.Ltmp5:
0x117: {  	v49 =	vld [tilespmem:s22+$0x6780];
	(pc) =	sbr.rel @p0 .LBB2_7-.Ltmp5, $3  }
0x118: {  	_ =	sdelay $0x1  }
0x119: {  	s20 =	sadd.s32 $0x80, s20  }
0x11a: {  	s21 =	sadd.s32 $0x10, s21;
	s23 =	sand.u32 $0x1C00, s20;
	s22 =	sand.u32 $0x70, s19  }
0x11b: {  	_ =	sdelay $0x3  }
0x11c: {  	s21 =	sor.u32 s22, s23;
	[tilespmem:v48+s13+$0x0] =	vst.idx.add.f32.msk $0xffff, v49  }
0x11d: {  	v49 =	vld [tilespmem:s21+$0x0];
	_ =	sdelay $0x4  }
0x11e: {  	[tilespmem:v0+s13+$0x0] =	vst.idx.add.f32.msk $0xffff, v49  }
0x11f: {  	v49 =	vld [tilespmem:s21+$0x80];
	_ =	sdelay $0x4  }
0x120: {  	[tilespmem:v2+s13+$0x0] =	vst.idx.add.f32.msk $0xffff, v49  }
0x121: {  	v49 =	vld [tilespmem:s21+$0x100];
	_ =	sdelay $0x4  }
0x122: {  	[tilespmem:v3+s13+$0x0] =	vst.idx.add.f32.msk $0xffff, v49  }
0x123: {  	v49 =	vld [tilespmem:s21+$0x180];
	_ =	sdelay $0x4  }
0x124: {  	[tilespmem:v4+s13+$0x0] =	vst.idx.add.f32.msk $0xffff, v49  }
0x125: {  	v49 =	vld [tilespmem:s21+$0x200];
	_ =	sdelay $0x4  }
0x126: {  	[tilespmem:v5+s13+$0x0] =	vst.idx.add.f32.msk $0xffff, v49  }
0x127: {  	v49 =	vld [tilespmem:s21+$0x280];
	_ =	sdelay $0x4  }
0x128: {  	[tilespmem:v6+s13+$0x0] =	vst.idx.add.f32.msk $0xffff, v49  }
0x129: {  	v49 =	vld [tilespmem:s21+$0x300];
	_ =	sdelay $0x3  }
0x12a: {  	s19 =	sor.u32 s20, s19  }
0x12b: {  	s19 =	sor.u32 $0x380, s19;
	[tilespmem:v7+s13+$0x0] =	vst.idx.add.f32.msk $0xffff, v49  }
0x12c: {  	v49 =	vld [tilespmem:s19+$0x0];
	_ =	sdelay $0x4  }
0x12d: {  	[tilespmem:v8+s13+$0x0] =	vst.idx.add.f32.msk $0xffff, v49  }
0x12e: {  	v49 =	vld [tilespmem:s21+$0x1400];
	_ =	sdelay $0x4  }
0x12f: {  	[tilespmem:v9+s13+$0x0] =	vst.idx.add.f32.msk $0xffff, v49  }
0x130: {  	v49 =	vld [tilespmem:s21+$0x1480];
	_ =	sdelay $0x4  }
0x131: {  	[tilespmem:v10+s13+$0x0] =	vst.idx.add.f32.msk $0xffff, v49  }
0x132: {  	v49 =	vld [tilespmem:s21+$0x1500];
	_ =	sdelay $0x4  }
0x133: {  	[tilespmem:v11+s13+$0x0] =	vst.idx.add.f32.msk $0xffff, v49  }
0x134: {  	v49 =	vld [tilespmem:s21+$0x1580];
	_ =	sdelay $0x4  }
0x135: {  	[tilespmem:v12+s13+$0x0] =	vst.idx.add.f32.msk $0xffff, v49  }
0x136: {  	v49 =	vld [tilespmem:s21+$0x1600];
	_ =	sdelay $0x4  }
0x137: {  	[tilespmem:v13+s13+$0x0] =	vst.idx.add.f32.msk $0xffff, v49  }
0x138: {  	v49 =	vld [tilespmem:s21+$0x1680];
	_ =	sdelay $0x4  }
0x139: {  	[tilespmem:v14+s13+$0x0] =	vst.idx.add.f32.msk $0xffff, v49  }
0x13a: {  	v49 =	vld [tilespmem:s21+$0x1700];
	_ =	sdelay $0x4  }
0x13b: {  	[tilespmem:v15+s13+$0x0] =	vst.idx.add.f32.msk $0xffff, v49  }
0x13c: {  	v49 =	vld [tilespmem:s21+$0x1780];
	_ =	sdelay $0x4  }
0x13d: {  	[tilespmem:v16+s13+$0x0] =	vst.idx.add.f32.msk $0xffff, v49  }
0x13e: {  	v49 =	vld [tilespmem:s21+$0x2800];
	_ =	sdelay $0x4  }
0x13f: {  	[tilespmem:v17+s13+$0x0] =	vst.idx.add.f32.msk $0xffff, v49  }
0x140: {  	v49 =	vld [tilespmem:s21+$0x2880];
	_ =	sdelay $0x4  }
0x141: {  	[tilespmem:v18+s13+$0x0] =	vst.idx.add.f32.msk $0xffff, v49  }
0x142: {  	v49 =	vld [tilespmem:s21+$0x2900];
	_ =	sdelay $0x4  }
0x143: {  	[tilespmem:v19+s13+$0x0] =	vst.idx.add.f32.msk $0xffff, v49  }
0x144: {  	v49 =	vld [tilespmem:s21+$0x2980];
	_ =	sdelay $0x4  }
0x145: {  	[tilespmem:v20+s13+$0x0] =	vst.idx.add.f32.msk $0xffff, v49  }
0x146: {  	v49 =	vld [tilespmem:s21+$0x2A00];
	_ =	sdelay $0x4  }
0x147: {  	[tilespmem:v21+s13+$0x0] =	vst.idx.add.f32.msk $0xffff, v49  }
0x148: {  	v49 =	vld [tilespmem:s21+$0x2A80];
	_ =	sdelay $0x4  }
0x149: {  	[tilespmem:v22+s13+$0x0] =	vst.idx.add.f32.msk $0xffff, v49  }
0x14a: {  	v49 =	vld [tilespmem:s21+$0x2B00];
	_ =	sdelay $0x4  }
0x14b: {  	[tilespmem:v23+s13+$0x0] =	vst.idx.add.f32.msk $0xffff, v49  }
0x14c: {  	v49 =	vld [tilespmem:s21+$0x2B80];
	_ =	sdelay $0x4  }
0x14d: {  	[tilespmem:v24+s13+$0x0] =	vst.idx.add.f32.msk $0xffff, v49  }
0x14e: {  	v49 =	vld [tilespmem:s21+$0x3C00];
	_ =	sdelay $0x4  }
0x14f: {  	[tilespmem:v25+s13+$0x0] =	vst.idx.add.f32.msk $0xffff, v49  }
0x150: {  	v49 =	vld [tilespmem:s21+$0x3C80];
	_ =	sdelay $0x4  }
0x151: {  	[tilespmem:v26+s13+$0x0] =	vst.idx.add.f32.msk $0xffff, v49  }
0x152: {  	v49 =	vld [tilespmem:s21+$0x3D00];
	_ =	sdelay $0x4  }
0x153: {  	[tilespmem:v27+s13+$0x0] =	vst.idx.add.f32.msk $0xffff, v49  }
0x154: {  	v49 =	vld [tilespmem:s21+$0x3D80];
	_ =	sdelay $0x4  }
0x155: {  	[tilespmem:v28+s13+$0x0] =	vst.idx.add.f32.msk $0xffff, v49  }
0x156: {  	v49 =	vld [tilespmem:s21+$0x3E00];
	_ =	sdelay $0x4  }
0x157: {  	[tilespmem:v29+s13+$0x0] =	vst.idx.add.f32.msk $0xffff, v49  }
0x158: {  	v49 =	vld [tilespmem:s21+$0x3E80];
	_ =	sdelay $0x4  }
0x159: {  	[tilespmem:v30+s13+$0x0] =	vst.idx.add.f32.msk $0xffff, v49  }
0x15a: {  	v49 =	vld [tilespmem:s21+$0x3F00];
	_ =	sdelay $0x4  }
0x15b: {  	[tilespmem:v31+s13+$0x0] =	vst.idx.add.f32.msk $0xffff, v49  }
0x15c: {  	v49 =	vld [tilespmem:s21+$0x3F80];
	_ =	sdelay $0x4  }
0x15d: {  	[tilespmem:v32+s13+$0x0] =	vst.idx.add.f32.msk $0xffff, v49  }
0x15e: {  	v49 =	vld [tilespmem:s21+$0x5000];
	_ =	sdelay $0x4  }
0x15f: {  	[tilespmem:v33+s13+$0x0] =	vst.idx.add.f32.msk $0xffff, v49  }
0x160: {  	v49 =	vld [tilespmem:s21+$0x5080];
	_ =	sdelay $0x4  }
0x161: {  	[tilespmem:v34+s13+$0x0] =	vst.idx.add.f32.msk $0xffff, v49  }
0x162: {  	v49 =	vld [tilespmem:s21+$0x5100];
	_ =	sdelay $0x4  }
0x163: {  	[tilespmem:v35+s13+$0x0] =	vst.idx.add.f32.msk $0xffff, v49  }
0x164: {  	v49 =	vld [tilespmem:s21+$0x5180];
	_ =	sdelay $0x4  }
0x165: {  	[tilespmem:v36+s13+$0x0] =	vst.idx.add.f32.msk $0xffff, v49  }
0x166: {  	v49 =	vld [tilespmem:s21+$0x5200];
	_ =	sdelay $0x4  }
0x167: {  	[tilespmem:v37+s13+$0x0] =	vst.idx.add.f32.msk $0xffff, v49  }
0x168: {  	v49 =	vld [tilespmem:s21+$0x5280];
	_ =	sdelay $0x4  }
0x169: {  	[tilespmem:v38+s13+$0x0] =	vst.idx.add.f32.msk $0xffff, v49  }
0x16a: {  	v49 =	vld [tilespmem:s21+$0x5300];
	_ =	sdelay $0x4  }
0x16b: {  	[tilespmem:v39+s13+$0x0] =	vst.idx.add.f32.msk $0xffff, v49  }
0x16c: {  	v49 =	vld [tilespmem:s21+$0x5380];
	_ =	sdelay $0x4  }
0x16d: {  	[tilespmem:v40+s13+$0x0] =	vst.idx.add.f32.msk $0xffff, v49  }
0x16e: {  	v49 =	vld [tilespmem:s21+$0x6400];
	_ =	sdelay $0x4  }
0x16f: {  	[tilespmem:v41+s13+$0x0] =	vst.idx.add.f32.msk $0xffff, v49  }
0x170: {  	v49 =	vld [tilespmem:s21+$0x6480];
	_ =	sdelay $0x4  }
0x171: {  	[tilespmem:v42+s13+$0x0] =	vst.idx.add.f32.msk $0xffff, v49  }
0x172: {  	v49 =	vld [tilespmem:s21+$0x6500];
	_ =	sdelay $0x4  }
0x173: {  	[tilespmem:v43+s13+$0x0] =	vst.idx.add.f32.msk $0xffff, v49  }
0x174: {  	v49 =	vld [tilespmem:s21+$0x6580];
	_ =	sdelay $0x4  }
0x175: {  	[tilespmem:v44+s13+$0x0] =	vst.idx.add.f32.msk $0xffff, v49  }
0x176: {  	v49 =	vld [tilespmem:s21+$0x6600];
	_ =	sdelay $0x4  }
0x177: {  	[tilespmem:v45+s13+$0x0] =	vst.idx.add.f32.msk $0xffff, v49  }
0x178: {  	v49 =	vld [tilespmem:s21+$0x6680];
	_ =	sdelay $0x4  }
0x179: {  	[tilespmem:v46+s13+$0x0] =	vst.idx.add.f32.msk $0xffff, v49  }
0x17a: {  	v49 =	vld [tilespmem:s21+$0x6700];
	_ =	sdelay $0x4  }
0x17b: {  	s18 =	sadd.s32 $0x1, s18;
	[tilespmem:v47+s13+$0x0] =	vst.idx.add.f32.msk $0xffff, v49  }
0x17c: {  	p0 =	sne.s32 s18, s17;
	v49 =	vld [tilespmem:s21+$0x6780]  }
.Ltmp6:
0x17d: {  	_ = 	snop;
	(pc) =	sbr.rel @p0 .LBB2_6-.Ltmp6, $4  }
.Ltmp7:
0x17e: {  	_ = 	snop;
	(pc) =	sbr.rel @!p0 .LBB2_9-.Ltmp7, $4  }
0x17f: {  	_ = 	snop  }
0x180: {  	_ = 	snop  }
0x181: {  	[tilespmem:v48+s13+$0x0] =	vst.idx.add.f32.msk $0xffff, v49  }
0x182: {  	_ = 	snop  }
.LBB2_10:
0x183: {  	_ =	sfence.sel $0x180000  }
0x184: {  	[bflag:$0x0] =	sbarrier.arrive $0xFFFF  }
0x185: {  	p0 =	sne.s32 s2, $0x0;
	_ =	strace $0x90000047  }
0x186: {  	s0 =	sadd.s32 @!p0 $0x100000, s1;
	[bflag:$0x2] =	sbarrier.arrive $0xFFFF  }
0x187: {  	[sflag:s0] =	ssyncadd.tile.s32 @!p0 $0x1;
	_ =	shalt  }
.Lfunc_end2:
_tile_overlayer_lowered:
.L_overlay_start_2:
0x188: {  	(tag) =	ssettag $0x2  }
0x189: {  	s0 =	rddreg [dreg:$0x0];
	s2 =	stileid.u32  }
0x18a: {  	s1 =	rddreg [dreg:$0x1];
	p0 =	sne.s32 s2, $0x0  }
0x18b: {  	s3 =	rddreg [dreg:$0x2];
	[bflag:$0x3] =	sbarrier.arrive $0xFFFF;
	s2 =	simm.s32 @!p0 $0x1C01  }
0x18c: {  	[timem:s3], [sflag:s2] =	dma.local @!p0 [hbm:s0], s1  }
0x18d: {  	s0 =	simm.s32 @!p0 $0x1  }
0x18e: {  	_ =	swait.ge @!p0 [sflag:s0], s1  }
0x18f: {  	s1 =	ssub.s32 @!p0 $0x0, s1;
	[sflag:s0] =	ssyncset.done @!p0 $0x0  }
0x190: {  	[sflag:s0] =	ssyncadd.s32 @!p0 s1  }
0x191: {  	[bflag:$0x3] =	sbarrier.arrive $0xFFFF  }
0x192: {  	_ =	shalt  }

</sc_bundles>
